<compile_context>
chip_gen: v7x
topology: tpu7x:2x2x1
jax: 0.10.2.dev20260603
libtpu: 0.0.44.dev20260713+nightly
codegen_flags: <defaults>
</compile_context>

<pallas_src>
import functools
import jax
import jax.numpy as jnp
from jax import lax
from jax.experimental import pallas as pl
from jax.experimental.pallas import tpu as pltpu
from jax.experimental.pallas import tpu_sc as plsc

N_NODES = 10000
D = 128
N_EDGES = 320000
NC = 2
NS = 16
NW = NC * NS
EPW = N_EDGES // NW
K = 64
NCHUNK = EPW // K
KT = EPW - NCHUNK * K
RING = 4
ZR = 624
ZT = N_NODES - NS * ZR
ZB = 48


def _sc_segsum(x, eidx):
  mesh = plsc.VectorSubcoreMesh(core_axis_name="c", subcore_axis_name="s")

  @functools.partial(
      pl.kernel,
      mesh=mesh,
      out_type=[
          jax.ShapeDtypeStruct((NC, N_NODES, D), jnp.float32),
          jax.ShapeDtypeStruct((NC * N_NODES,), jnp.float32),
      ],
      scratch_types=[
          pltpu.VMEM((EPW,), jnp.int32),
          pltpu.VMEM((RING, K), jnp.int32),
          pltpu.VMEM((1, KT), jnp.int32),
          [pltpu.VMEM((K, D), jnp.float32) for _ in range(RING)],
          pltpu.VMEM((K,), jnp.float32),
          pltpu.VMEM((ZR,), jnp.float32),
          pltpu.VMEM((ZB, D), jnp.float32),
          pltpu.VMEM_SHARED((N_NODES, D), jnp.float32),
          pltpu.VMEM_SHARED((N_NODES,), jnp.float32),
          [pltpu.SemaphoreType.DMA for _ in range(RING)],
          [pltpu.SemaphoreType.DMA for _ in range(RING)],
          [pltpu.SemaphoreType.DMA for _ in range(RING)],
      ],
  )
  def k(x_hbm, eidx_hbm, part_hbm, degw_hbm,
        coli, rowu, rowt, bufs, onesv, dzb, zb2, acc, dega, gsems, rsems,
        dsems):
    c = lax.axis_index("c")
    s = lax.axis_index("s")
    wid = c * NS + s
    base = pl.multiple_of(wid * EPW, 8)

    pltpu.sync_copy(eidx_hbm.at[pl.ds(N_EDGES + base, EPW)], coli)
    tbase = pl.multiple_of(wid * EPW + NCHUNK * K, 8)
    pltpu.sync_copy(eidx_hbm.at[pl.ds(tbase, KT)], rowt.at[0])

    for j in range(RING):
      off = pl.multiple_of(wid * EPW + j * K, 8)
      pltpu.async_copy(eidx_hbm.at[pl.ds(off, K)], rowu.at[j], rsems[j])
      pltpu.async_copy(x_hbm.at[coli.at[pl.ds(j * K, K)]], bufs[j], gsems[j])

    def zrow(i, carry):
      for j in range(D // 16):
        zb2[i, pl.ds(j * 16, 16)] = jnp.zeros((16,), jnp.float32)
      return carry
    lax.fori_loop(0, ZB, zrow, 0)
    def zdeg(i, carry):
      dzb[pl.ds(i * 16, 16)] = jnp.zeros((16,), jnp.float32)
      return carry
    lax.fori_loop(0, ZR // 16, zdeg, 0)

    for jj in range(ZR // ZB):
      pltpu.sync_copy(zb2, acc.at[pl.ds(s * ZR + jj * ZB, ZB)])
    pltpu.sync_copy(dzb, dega.at[pl.ds(s * ZR, ZR)])
    @pl.when(s == 0)
    def _():
      pltpu.sync_copy(zb2.at[pl.ds(0, ZT)], acc.at[pl.ds(NS * ZR, ZT)])
      pltpu.sync_copy(dzb.at[pl.ds(0, ZT)], dega.at[pl.ds(NS * ZR, ZT)])

    for j in range(K // 16):
      onesv[pl.ds(j * 16, 16)] = jnp.ones((16,), jnp.float32)
    plsc.subcore_barrier()

    def outer(o, carry):
      for j in range(RING):
        i = o * RING + j
        pltpu.make_async_copy(x_hbm.at[coli.at[pl.ds(0, K)]], bufs[j],
                              gsems[j]).wait()
        pltpu.make_async_copy(eidx_hbm.at[pl.ds(base, K)], rowu.at[j],
                              rsems[j]).wait()
        pltpu.async_copy(onesv, dega.at[rowu.at[j]], dsems[j], add=True)
        pltpu.sync_copy(bufs[j], acc.at[rowu.at[j]], add=True)
        pltpu.make_async_copy(onesv, dega.at[rowu.at[j]], dsems[j]).wait()
        nxt = i + RING
        @pl.when(nxt < NCHUNK)
        def _():
          noff = pl.multiple_of(wid * EPW + nxt * K, 8)
          pltpu.async_copy(eidx_hbm.at[pl.ds(noff, K)], rowu.at[j],
                           rsems[j])
          pltpu.async_copy(x_hbm.at[coli.at[pl.ds(nxt * K, K)]], bufs[j],
                           gsems[j])
      return carry
    lax.fori_loop(0, NCHUNK // RING, outer, 0)

    pltpu.async_copy(x_hbm.at[coli.at[pl.ds(NCHUNK * K, KT)]],
                     bufs[0].at[pl.ds(0, KT)], gsems[0])
    pltpu.make_async_copy(x_hbm.at[coli.at[pl.ds(0, KT)]],
                          bufs[0].at[pl.ds(0, KT)], gsems[0]).wait()
    pltpu.sync_copy(bufs[0].at[pl.ds(0, KT)], acc.at[rowt.at[0]], add=True)
    pltpu.sync_copy(onesv.at[pl.ds(0, KT)], dega.at[rowt.at[0]], add=True)

    plsc.subcore_barrier()

    pltpu.sync_copy(acc.at[pl.ds(s * ZR, ZR)],
                    part_hbm.at[c, pl.ds(s * ZR, ZR)])
    pltpu.sync_copy(dega.at[pl.ds(s * ZR, ZR)], dzb)
    doff = pl.multiple_of(c * N_NODES + s * ZR, 8)
    pltpu.sync_copy(dzb, degw_hbm.at[pl.ds(doff, ZR)])
    @pl.when(s == 0)
    def _():
      pltpu.sync_copy(acc.at[pl.ds(NS * ZR, ZT)],
                      part_hbm.at[c, pl.ds(NS * ZR, ZT)])
      pltpu.sync_copy(dega.at[pl.ds(NS * ZR, ZT)], dzb.at[pl.ds(0, ZT)])
      toff = pl.multiple_of(c * N_NODES + NS * ZR, 8)
      pltpu.sync_copy(dzb.at[pl.ds(0, ZT)], degw_hbm.at[pl.ds(toff, ZT)])

  return k(x, eidx)


def _tc_combine(part, degw, x, W):
  NB = 2000

  def body(part_ref, degw_ref, x_ref, w_ref, o_ref):
    p = part_ref[0] + part_ref[1]
    d = degw_ref[0] + degw_ref[1]
    agg = p - d * x_ref[...]
    o_ref[...] = lax.dot_general(
        agg, w_ref[...], (((1,), (1,)), ((), ())),
        preferred_element_type=jnp.float32)

  return pl.pallas_call(
      body,
      grid=(N_NODES // NB,),
      in_specs=[
          pl.BlockSpec((NC, NB, D), lambda i: (0, i, 0)),
          pl.BlockSpec((NC, NB, 1), lambda i: (0, i, 0)),
          pl.BlockSpec((NB, D), lambda i: (i, 0)),
          pl.BlockSpec((D, D), lambda i: (0, 0)),
      ],
      out_specs=pl.BlockSpec((NB, D), lambda i: (i, 0)),
      out_shape=jax.ShapeDtypeStruct((N_NODES, D), jnp.float32),
  )(part, degw.reshape(NC, N_NODES, 1), x, W)


def kernel(x, edge_index, W, b):
  eidx = edge_index.astype(jnp.int32).reshape(2 * N_EDGES)
  part, degw = _sc_segsum(x, eidx)
  return _tc_combine(part, degw, x, W)

# --- scband reference (transcript-rebuilt; emitter-appended) ---
"""Pipeline reference for scband-eff-sparse-edge-only-conv-79199196938681 (READ-ONLY COPY).

The authoritative reference and input builder live on the scoring server;
editing this copy changes nothing except your own understanding.
"""

import jax, jax.numpy as jnp
import numpy as np

N_NODES = 10000
N_EDGES = 320000
D_IN = 128
D_OUT = 128

def setup_inputs(seed: int = 0) -> dict:
    key = jax.random.key(seed)
    k1, k2, k3, k4 = jax.random.split(key, 4)
    x = jax.random.normal(k1, (N_NODES, D_IN), dtype=jnp.float32)
    edge_index = jax.random.randint(k2, (2, N_EDGES), 0, N_NODES, dtype=jnp.int64)
    # lin2 parameters (nn.Linear(in_channels, out_channels, bias=True))
    bound = 1.0 / np.sqrt(D_IN)
    W = jax.random.uniform(k3, (D_OUT, D_IN), minval=-bound, maxval=bound, dtype=jnp.float32)
    b = jax.random.uniform(k4, (D_OUT,), minval=-bound, maxval=bound, dtype=jnp.float32)
    return {"x": x, "edge_index": edge_index, "W": W, "b": b}

def reference(x, edge_index, W, b):
    # edge_index is COO of adjacency A with A[row, col] = 1
    N = x.shape[0]
    row = edge_index[0]
    col = edge_index[1]
    # num_neighbors = A @ ones(N, 1)  (row-sum / degree of each dst node)
    deg = jax.ops.segment_sum(jnp.ones((row.shape[0],), dtype=x.dtype), row, num_segments=N)
    deg = deg[:, None]
    # x_2 = lin2(x)
    x2 = x @ W.T + b
    # aggr == 'add' branch:
    x_i = -x2 * deg
    # x_j = A @ x2 : out[r] = sum_{edges (r,c)} x2[c]
    x_j = jax.ops.segment_sum(jnp.take(x2, col, axis=0), row, num_segments=N)
    return x_i + x_j

if __name__ == "__main__":
    import jax
    _d = setup_inputs()
    print(jax.jit(kernel)(*tuple(_d.values())))

</pallas_src>

<mosaic_0001>
#map = affine_map<(d0, d1) -> (0, 0)>
#map1 = affine_map<(d0, d1) -> (0)>
#map2 = affine_map<(d0, d1) -> (0, 0, 0)>
module attributes {stable_mosaic.version = 14 : i64} {
  func.func @k(%arg0: i32, %arg1: i32, %arg2: memref<10000x128xf32, #tpu.memory_space<hbm>>, %arg3: memref<640000xi32, #tpu.memory_space<hbm>>, %arg4: memref<2x10000x128xf32, #tpu.memory_space<hbm>>, %arg5: memref<20000xf32, #tpu.memory_space<hbm>>, %arg6: memref<10000xi32, #tpu.memory_space<vmem>>, %arg7: memref<4x64xi32, #tpu.memory_space<vmem>>, %arg8: memref<1x16xi32, #tpu.memory_space<vmem>>, %arg9: memref<64x128xf32, #tpu.memory_space<vmem>>, %arg10: memref<64x128xf32, #tpu.memory_space<vmem>>, %arg11: memref<64x128xf32, #tpu.memory_space<vmem>>, %arg12: memref<64x128xf32, #tpu.memory_space<vmem>>, %arg13: memref<64xf32, #tpu.memory_space<vmem>>, %arg14: memref<624xf32, #tpu.memory_space<vmem>>, %arg15: memref<48x128xf32, #tpu.memory_space<vmem>>, %arg16: memref<10000x128xf32, #tpu.memory_space<vmem_shared>>, %arg17: memref<10000xf32, #tpu.memory_space<vmem_shared>>, %arg18: memref<!tpu.dma_semaphore, #tpu.memory_space<semaphore_mem>>, %arg19: memref<!tpu.dma_semaphore, #tpu.memory_space<semaphore_mem>>, %arg20: memref<!tpu.dma_semaphore, #tpu.memory_space<semaphore_mem>>, %arg21: memref<!tpu.dma_semaphore, #tpu.memory_space<semaphore_mem>>, %arg22: memref<!tpu.dma_semaphore, #tpu.memory_space<semaphore_mem>>, %arg23: memref<!tpu.dma_semaphore, #tpu.memory_space<semaphore_mem>>, %arg24: memref<!tpu.dma_semaphore, #tpu.memory_space<semaphore_mem>>, %arg25: memref<!tpu.dma_semaphore, #tpu.memory_space<semaphore_mem>>, %arg26: memref<!tpu.dma_semaphore, #tpu.memory_space<semaphore_mem>>, %arg27: memref<!tpu.dma_semaphore, #tpu.memory_space<semaphore_mem>>, %arg28: memref<!tpu.dma_semaphore, #tpu.memory_space<semaphore_mem>>, %arg29: memref<!tpu.dma_semaphore, #tpu.memory_space<semaphore_mem>>) attributes {dimension_semantics = [#tpu.dimension_semantics<core_parallel>, #tpu.dimension_semantics<subcore_parallel>], iteration_bounds = array<i64: 2, 16>, scalar_prefetch = 0 : i64, scratch_operands = 24 : i64, tpu.core_type = #tpu.core_type<sc_vector_subcore>, window_params = [{transform_indices = #map}, {transform_indices = #map1}, {transform_indices = #map2}, {transform_indices = #map1}]} {
    %mul3A = arith.constant 16 : i32
    %mul3A_0 = arith.muli %arg0, %mul3A : i32
    %add3A = arith.addi %mul3A_0, %arg1 : i32
    %mul3A_1 = arith.constant 10000 : i32
    %mul3A_2 = arith.muli %add3A, %mul3A_1 : i32
    %multiple_of3A = tpu.assume_multiple %mul3A_2, 8 : i32
    %add3A_3 = arith.constant 320000 : i32
    %add3A_4 = arith.addi %add3A_3, %multiple_of3A : i32
    "tpu.region"() ({
      %run_scoped3A_215 = tpu.sem_alloc : memref<!tpu.dma_semaphore, #tpu.memory_space<semaphore_mem>>
      %dma_start3A_216 = tpu.memref_slice %arg3[%add3A_4] : memref<640000xi32, #tpu.memory_space<hbm>> -> memref<10000xi32, #tpu.memory_space<hbm>>
      %dma_start3A_217 = tpu.memref_slice %arg3[%add3A_4] : memref<640000xi32, #tpu.memory_space<hbm>> -> memref<10000xi32, #tpu.memory_space<hbm>>
      tpu.enqueue_dma source(%dma_start3A_217 : memref<10000xi32, #tpu.memory_space<hbm>>) target(%arg6 : memref<10000xi32, #tpu.memory_space<vmem>>) target_semaphore(%run_scoped3A_215 : memref<!tpu.dma_semaphore, #tpu.memory_space<semaphore_mem>>)
      %dma_wait3A_218 = tpu.memref_slice %arg3[%add3A_4] : memref<640000xi32, #tpu.memory_space<hbm>> -> memref<10000xi32, #tpu.memory_space<hbm>>
      %dma_wait3A_219 = tpu.memref_slice %arg3[%add3A_4] : memref<640000xi32, #tpu.memory_space<hbm>> -> memref<10000xi32, #tpu.memory_space<hbm>>
      tpu.wait_dma2 semaphore(%run_scoped3A_215 : memref<!tpu.dma_semaphore, #tpu.memory_space<semaphore_mem>>) src(%dma_wait3A_219 : memref<10000xi32, #tpu.memory_space<hbm>>) dst(%arg6 : memref<10000xi32, #tpu.memory_space<vmem>>)
      tpu.yield
    }) : () -> ()
    %mul3A_5 = arith.constant 10000 : i32
    %mul3A_6 = arith.muli %add3A, %mul3A_5 : i32
    %add3A_7 = arith.constant 9984 : i32
    %add3A_8 = arith.addi %mul3A_6, %add3A_7 : i32
    %multiple_of3A_9 = tpu.assume_multiple %add3A_8, 8 : i32
    %run_scoped3A = arith.constant 0 : i32
    "tpu.region"() ({
      %run_scoped3A_215 = tpu.sem_alloc : memref<!tpu.dma_semaphore, #tpu.memory_space<semaphore_mem>>
      %dma_start3A_216 = arith.constant 0 : i32
      %dma_start3A_217 = tpu.memref_slice %arg8[%run_scoped3A, %dma_start3A_216] : memref<1x16xi32, #tpu.memory_space<vmem>> -> memref<1x16xi32, #tpu.memory_space<vmem>>
      %dma_start3A_218 = tpu.memref_squeeze %dma_start3A_217 : memref<1x16xi32, #tpu.memory_space<vmem>> -> memref<16xi32, #tpu.memory_space<vmem>>
      %dma_start3A_219 = tpu.memref_slice %arg3[%multiple_of3A_9] : memref<640000xi32, #tpu.memory_space<hbm>> -> memref<16xi32, #tpu.memory_space<hbm>>
      %dma_start3A_220 = arith.constant 0 : i32
      %dma_start3A_221 = tpu.memref_slice %arg8[%run_scoped3A, %dma_start3A_220] : memref<1x16xi32, #tpu.memory_space<vmem>> -> memref<1x16xi32, #tpu.memory_space<vmem>>
      %dma_start3A_222 = tpu.memref_squeeze %dma_start3A_221 : memref<1x16xi32, #tpu.memory_space<vmem>> -> memref<16xi32, #tpu.memory_space<vmem>>
      %dma_start3A_223 = tpu.memref_slice %arg3[%multiple_of3A_9] : memref<640000xi32, #tpu.memory_space<hbm>> -> memref<16xi32, #tpu.memory_space<hbm>>
      tpu.enqueue_dma source(%dma_start3A_223 : memref<16xi32, #tpu.memory_space<hbm>>) target(%dma_start3A_222 : memref<16xi32, #tpu.memory_space<vmem>>) target_semaphore(%run_scoped3A_215 : memref<!tpu.dma_semaphore, #tpu.memory_space<semaphore_mem>>)
      %dma_wait3A_224 = arith.constant 0 : i32
      %dma_wait3A_225 = tpu.memref_slice %arg8[%run_scoped3A, %dma_wait3A_224] : memref<1x16xi32, #tpu.memory_space<vmem>> -> memref<1x16xi32, #tpu.memory_space<vmem>>
      %dma_wait3A_226 = tpu.memref_squeeze %dma_wait3A_225 : memref<1x16xi32, #tpu.memory_space<vmem>> -> memref<16xi32, #tpu.memory_space<vmem>>
      %dma_wait3A_227 = tpu.memref_slice %arg3[%multiple_of3A_9] : memref<640000xi32, #tpu.memory_space<hbm>> -> memref<16xi32, #tpu.memory_space<hbm>>
      %dma_wait3A_228 = arith.constant 0 : i32
      %dma_wait3A_229 = tpu.memref_slice %arg8[%run_scoped3A, %dma_wait3A_228] : memref<1x16xi32, #tpu.memory_space<vmem>> -> memref<1x16xi32, #tpu.memory_space<vmem>>
      %dma_wait3A_230 = tpu.memref_squeeze %dma_wait3A_229 : memref<1x16xi32, #tpu.memory_space<vmem>> -> memref<16xi32, #tpu.memory_space<vmem>>
      %dma_wait3A_231 = tpu.memref_slice %arg3[%multiple_of3A_9] : memref<640000xi32, #tpu.memory_space<hbm>> -> memref<16xi32, #tpu.memory_space<hbm>>
      tpu.wait_dma2 semaphore(%run_scoped3A_215 : memref<!tpu.dma_semaphore, #tpu.memory_space<semaphore_mem>>) src(%dma_wait3A_231 : memref<16xi32, #tpu.memory_space<hbm>>) dst(%dma_wait3A_230 : memref<16xi32, #tpu.memory_space<vmem>>)
      tpu.yield
    }) : () -> ()
    %mul3A_10 = arith.constant 10000 : i32
    %mul3A_11 = arith.muli %add3A, %mul3A_10 : i32
    %add3A_12 = arith.constant 0 : i32
    %add3A_13 = arith.addi %mul3A_11, %add3A_12 : i32
    %multiple_of3A_14 = tpu.assume_multiple %add3A_13, 8 : i32
    %dma_start3A = arith.constant 0 : i32
    %dma_start3A_15 = arith.constant 0 : i32
    %dma_start3A_16 = tpu.memref_slice %arg7[%dma_start3A, %dma_start3A_15] : memref<4x64xi32, #tpu.memory_space<vmem>> -> memref<1x64xi32, #tpu.memory_space<vmem>>
    %dma_start3A_17 = tpu.memref_squeeze %dma_start3A_16 : memref<1x64xi32, #tpu.memory_space<vmem>> -> memref<64xi32, #tpu.memory_space<vmem>>
    %dma_start3A_18 = tpu.memref_slice %arg3[%multiple_of3A_14] : memref<640000xi32, #tpu.memory_space<hbm>> -> memref<64xi32, #tpu.memory_space<hbm>>
    %dma_start3A_19 = arith.constant 0 : i32
    %dma_start3A_20 = tpu.memref_slice %arg7[%dma_start3A, %dma_start3A_19] : memref<4x64xi32, #tpu.memory_space<vmem>> -> memref<1x64xi32, #tpu.memory_space<vmem>>
    %dma_start3A_21 = tpu.memref_squeeze %dma_start3A_20 : memref<1x64xi32, #tpu.memory_space<vmem>> -> memref<64xi32, #tpu.memory_space<vmem>>
    %dma_start3A_22 = tpu.memref_slice %arg3[%multiple_of3A_14] : memref<640000xi32, #tpu.memory_space<hbm>> -> memref<64xi32, #tpu.memory_space<hbm>>
    tpu.enqueue_dma source(%dma_start3A_22 : memref<64xi32, #tpu.memory_space<hbm>>) target(%dma_start3A_21 : memref<64xi32, #tpu.memory_space<vmem>>) target_semaphore(%arg22 : memref<!tpu.dma_semaphore, #tpu.memory_space<semaphore_mem>>)
    %dma_start3A_23 = arith.constant 0 : i32
    %dma_start3A_24 = tpu.memref_slice %arg6[%dma_start3A_23] : memref<10000xi32, #tpu.memory_space<vmem>> -> memref<64xi32, #tpu.memory_space<vmem>>
    %dma_start3A_25 = arith.constant 0 : i32
    %dma_start3A_26 = arith.constant 0 : i32
    %dma_start3A_27 = tpu.memref_slice %arg2[%dma_start3A_25, %dma_start3A_26] : memref<10000x128xf32, #tpu.memory_space<hbm>> -> memref<10000x128xf32, #tpu.memory_space<hbm>>
    tpu.enqueue_indirect_dma source(%dma_start3A_27 : memref<10000x128xf32, #tpu.memory_space<hbm>>) target(%arg9 : memref<64x128xf32, #tpu.memory_space<vmem>>) offsets(%dma_start3A_24 : memref<64xi32, #tpu.memory_space<vmem>>) semaphore(%arg18 : memref<!tpu.dma_semaphore, #tpu.memory_space<semaphore_mem>>)
    %mul3A_28 = arith.constant 10000 : i32
    %mul3A_29 = arith.muli %add3A, %mul3A_28 : i32
    %add3A_30 = arith.constant 64 : i32
    %add3A_31 = arith.addi %mul3A_29, %add3A_30 : i32
    %multiple_of3A_32 = tpu.assume_multiple %add3A_31, 8 : i32
    %dma_start3A_33 = arith.constant 1 : i32
    %dma_start3A_34 = arith.constant 0 : i32
    %dma_start3A_35 = tpu.memref_slice %arg7[%dma_start3A_33, %dma_start3A_34] : memref<4x64xi32, #tpu.memory_space<vmem>> -> memref<1x64xi32, #tpu.memory_space<vmem>>
    %dma_start3A_36 = tpu.memref_squeeze %dma_start3A_35 : memref<1x64xi32, #tpu.memory_space<vmem>> -> memref<64xi32, #tpu.memory_space<vmem>>
    %dma_start3A_37 = tpu.memref_slice %arg3[%multiple_of3A_32] : memref<640000xi32, #tpu.memory_space<hbm>> -> memref<64xi32, #tpu.memory_space<hbm>>
    %dma_start3A_38 = arith.constant 0 : i32
    %dma_start3A_39 = tpu.memref_slice %arg7[%dma_start3A_33, %dma_start3A_38] : memref<4x64xi32, #tpu.memory_space<vmem>> -> memref<1x64xi32, #tpu.memory_space<vmem>>
    %dma_start3A_40 = tpu.memref_squeeze %dma_start3A_39 : memref<1x64xi32, #tpu.memory_space<vmem>> -> memref<64xi32, #tpu.memory_space<vmem>>
    %dma_start3A_41 = tpu.memref_slice %arg3[%multiple_of3A_32] : memref<640000xi32, #tpu.memory_space<hbm>> -> memref<64xi32, #tpu.memory_space<hbm>>
    tpu.enqueue_dma source(%dma_start3A_41 : memref<64xi32, #tpu.memory_space<hbm>>) target(%dma_start3A_40 : memref<64xi32, #tpu.memory_space<vmem>>) target_semaphore(%arg23 : memref<!tpu.dma_semaphore, #tpu.memory_space<semaphore_mem>>)
    %dma_start3A_42 = arith.constant 64 : i32
    %dma_start3A_43 = tpu.memref_slice %arg6[%dma_start3A_42] : memref<10000xi32, #tpu.memory_space<vmem>> -> memref<64xi32, #tpu.memory_space<vmem>>
    %dma_start3A_44 = arith.constant 0 : i32
    %dma_start3A_45 = arith.constant 0 : i32
    %dma_start3A_46 = tpu.memref_slice %arg2[%dma_start3A_44, %dma_start3A_45] : memref<10000x128xf32, #tpu.memory_space<hbm>> -> memref<10000x128xf32, #tpu.memory_space<hbm>>
    tpu.enqueue_indirect_dma source(%dma_start3A_46 : memref<10000x128xf32, #tpu.memory_space<hbm>>) target(%arg10 : memref<64x128xf32, #tpu.memory_space<vmem>>) offsets(%dma_start3A_43 : memref<64xi32, #tpu.memory_space<vmem>>) semaphore(%arg19 : memref<!tpu.dma_semaphore, #tpu.memory_space<semaphore_mem>>)
    %mul3A_47 = arith.constant 10000 : i32
    %mul3A_48 = arith.muli %add3A, %mul3A_47 : i32
    %add3A_49 = arith.constant 128 : i32
    %add3A_50 = arith.addi %mul3A_48, %add3A_49 : i32
    %multiple_of3A_51 = tpu.assume_multiple %add3A_50, 8 : i32
    %dma_start3A_52 = arith.constant 2 : i32
    %dma_start3A_53 = arith.constant 0 : i32
    %dma_start3A_54 = tpu.memref_slice %arg7[%dma_start3A_52, %dma_start3A_53] : memref<4x64xi32, #tpu.memory_space<vmem>> -> memref<1x64xi32, #tpu.memory_space<vmem>>
    %dma_start3A_55 = tpu.memref_squeeze %dma_start3A_54 : memref<1x64xi32, #tpu.memory_space<vmem>> -> memref<64xi32, #tpu.memory_space<vmem>>
    %dma_start3A_56 = tpu.memref_slice %arg3[%multiple_of3A_51] : memref<640000xi32, #tpu.memory_space<hbm>> -> memref<64xi32, #tpu.memory_space<hbm>>
    %dma_start3A_57 = arith.constant 0 : i32
    %dma_start3A_58 = tpu.memref_slice %arg7[%dma_start3A_52, %dma_start3A_57] : memref<4x64xi32, #tpu.memory_space<vmem>> -> memref<1x64xi32, #tpu.memory_space<vmem>>
    %dma_start3A_59 = tpu.memref_squeeze %dma_start3A_58 : memref<1x64xi32, #tpu.memory_space<vmem>> -> memref<64xi32, #tpu.memory_space<vmem>>
    %dma_start3A_60 = tpu.memref_slice %arg3[%multiple_of3A_51] : memref<640000xi32, #tpu.memory_space<hbm>> -> memref<64xi32, #tpu.memory_space<hbm>>
    tpu.enqueue_dma source(%dma_start3A_60 : memref<64xi32, #tpu.memory_space<hbm>>) target(%dma_start3A_59 : memref<64xi32, #tpu.memory_space<vmem>>) target_semaphore(%arg24 : memref<!tpu.dma_semaphore, #tpu.memory_space<semaphore_mem>>)
    %dma_start3A_61 = arith.constant 128 : i32
    %dma_start3A_62 = tpu.memref_slice %arg6[%dma_start3A_61] : memref<10000xi32, #tpu.memory_space<vmem>> -> memref<64xi32, #tpu.memory_space<vmem>>
    %dma_start3A_63 = arith.constant 0 : i32
    %dma_start3A_64 = arith.constant 0 : i32
    %dma_start3A_65 = tpu.memref_slice %arg2[%dma_start3A_63, %dma_start3A_64] : memref<10000x128xf32, #tpu.memory_space<hbm>> -> memref<10000x128xf32, #tpu.memory_space<hbm>>
    tpu.enqueue_indirect_dma source(%dma_start3A_65 : memref<10000x128xf32, #tpu.memory_space<hbm>>) target(%arg11 : memref<64x128xf32, #tpu.memory_space<vmem>>) offsets(%dma_start3A_62 : memref<64xi32, #tpu.memory_space<vmem>>) semaphore(%arg20 : memref<!tpu.dma_semaphore, #tpu.memory_space<semaphore_mem>>)
    %mul3A_66 = arith.constant 10000 : i32
    %mul3A_67 = arith.muli %add3A, %mul3A_66 : i32
    %add3A_68 = arith.constant 192 : i32
    %add3A_69 = arith.addi %mul3A_67, %add3A_68 : i32
    %multiple_of3A_70 = tpu.assume_multiple %add3A_69, 8 : i32
    %dma_start3A_71 = arith.constant 3 : i32
    %dma_start3A_72 = arith.constant 0 : i32
    %dma_start3A_73 = tpu.memref_slice %arg7[%dma_start3A_71, %dma_start3A_72] : memref<4x64xi32, #tpu.memory_space<vmem>> -> memref<1x64xi32, #tpu.memory_space<vmem>>
    %dma_start3A_74 = tpu.memref_squeeze %dma_start3A_73 : memref<1x64xi32, #tpu.memory_space<vmem>> -> memref<64xi32, #tpu.memory_space<vmem>>
    %dma_start3A_75 = tpu.memref_slice %arg3[%multiple_of3A_70] : memref<640000xi32, #tpu.memory_space<hbm>> -> memref<64xi32, #tpu.memory_space<hbm>>
    %dma_start3A_76 = arith.constant 0 : i32
    %dma_start3A_77 = tpu.memref_slice %arg7[%dma_start3A_71, %dma_start3A_76] : memref<4x64xi32, #tpu.memory_space<vmem>> -> memref<1x64xi32, #tpu.memory_space<vmem>>
    %dma_start3A_78 = tpu.memref_squeeze %dma_start3A_77 : memref<1x64xi32, #tpu.memory_space<vmem>> -> memref<64xi32, #tpu.memory_space<vmem>>
    %dma_start3A_79 = tpu.memref_slice %arg3[%multiple_of3A_70] : memref<640000xi32, #tpu.memory_space<hbm>> -> memref<64xi32, #tpu.memory_space<hbm>>
    tpu.enqueue_dma source(%dma_start3A_79 : memref<64xi32, #tpu.memory_space<hbm>>) target(%dma_start3A_78 : memref<64xi32, #tpu.memory_space<vmem>>) target_semaphore(%arg25 : memref<!tpu.dma_semaphore, #tpu.memory_space<semaphore_mem>>)
    %dma_start3A_80 = arith.constant 192 : i32
    %dma_start3A_81 = tpu.memref_slice %arg6[%dma_start3A_80] : memref<10000xi32, #tpu.memory_space<vmem>> -> memref<64xi32, #tpu.memory_space<vmem>>
    %dma_start3A_82 = arith.constant 0 : i32
    %dma_start3A_83 = arith.constant 0 : i32
    %dma_start3A_84 = tpu.memref_slice %arg2[%dma_start3A_82, %dma_start3A_83] : memref<10000x128xf32, #tpu.memory_space<hbm>> -> memref<10000x128xf32, #tpu.memory_space<hbm>>
    tpu.enqueue_indirect_dma source(%dma_start3A_84 : memref<10000x128xf32, #tpu.memory_space<hbm>>) target(%arg12 : memref<64x128xf32, #tpu.memory_space<vmem>>) offsets(%dma_start3A_81 : memref<64xi32, #tpu.memory_space<vmem>>) semaphore(%arg21 : memref<!tpu.dma_semaphore, #tpu.memory_space<semaphore_mem>>)
    %scan3A = arith.constant 0 : i32
    %scan3A_85 = arith.constant 0 : i32
    %scan3A_86 = arith.constant 48 : i32
    %scan3A_87 = arith.addi %scan3A_85, %scan3A_86 : i32
    %scan3A_88 = arith.constant 1 : i32
    scf.for %scan3A_215 = %scan3A_85 to %scan3A_87 step %scan3A_88  : i32 {
      %broadcast_in_dim3A_216 = arith.constant 0.000000e+00 : f32
      %broadcast_in_dim3A_217 = vector.broadcast %broadcast_in_dim3A_216 : f32 to vector<16xf32>
      %swap3A_218 = arith.index_cast %scan3A_215 : i32 to index
      %swap3A_219 = arith.constant 0 : index
      %swap3A_220 = tpu.vector_load %arg15[%swap3A_218, %swap3A_219] {strides = array<i32>} : memref<48x128xf32, #tpu.memory_space<vmem>>, vector<1x16xf32>,
      %swap3A_221 = vector.shape_cast %swap3A_220 : vector<1x16xf32> to vector<16xf32>
      %swap3A_222 = vector.shape_cast %broadcast_in_dim3A_217 : vector<16xf32> to vector<1x16xf32>
      tpu.vector_store %arg15[%swap3A_218, %swap3A_219], %swap3A_222 {strides = array<i32>} : memref<48x128xf32, #tpu.memory_space<vmem>>, vector<1x16xf32>,
      %broadcast_in_dim3A_223 = arith.constant 0.000000e+00 : f32
      %broadcast_in_dim3A_224 = vector.broadcast %broadcast_in_dim3A_223 : f32 to vector<16xf32>
      %swap3A_225 = arith.index_cast %scan3A_215 : i32 to index
      %swap3A_226 = arith.constant 16 : index
      %swap3A_227 = tpu.vector_load %arg15[%swap3A_225, %swap3A_226] {strides = array<i32>} : memref<48x128xf32, #tpu.memory_space<vmem>>, vector<1x16xf32>,
      %swap3A_228 = vector.shape_cast %swap3A_227 : vector<1x16xf32> to vector<16xf32>
      %swap3A_229 = vector.shape_cast %broadcast_in_dim3A_224 : vector<16xf32> to vector<1x16xf32>
      tpu.vector_store %arg15[%swap3A_225, %swap3A_226], %swap3A_229 {strides = array<i32>} : memref<48x128xf32, #tpu.memory_space<vmem>>, vector<1x16xf32>,
      %broadcast_in_dim3A_230 = arith.constant 0.000000e+00 : f32
      %broadcast_in_dim3A_231 = vector.broadcast %broadcast_in_dim3A_230 : f32 to vector<16xf32>
      %swap3A_232 = arith.index_cast %scan3A_215 : i32 to index
      %swap3A_233 = arith.constant 32 : index
      %swap3A_234 = tpu.vector_load %arg15[%swap3A_232, %swap3A_233] {strides = array<i32>} : memref<48x128xf32, #tpu.memory_space<vmem>>, vector<1x16xf32>,
      %swap3A_235 = vector.shape_cast %swap3A_234 : vector<1x16xf32> to vector<16xf32>
      %swap3A_236 = vector.shape_cast %broadcast_in_dim3A_231 : vector<16xf32> to vector<1x16xf32>
      tpu.vector_store %arg15[%swap3A_232, %swap3A_233], %swap3A_236 {strides = array<i32>} : memref<48x128xf32, #tpu.memory_space<vmem>>, vector<1x16xf32>,
      %broadcast_in_dim3A_237 = arith.constant 0.000000e+00 : f32
      %broadcast_in_dim3A_238 = vector.broadcast %broadcast_in_dim3A_237 : f32 to vector<16xf32>
      %swap3A_239 = arith.index_cast %scan3A_215 : i32 to index
      %swap3A_240 = arith.constant 48 : index
      %swap3A_241 = tpu.vector_load %arg15[%swap3A_239, %swap3A_240] {strides = array<i32>} : memref<48x128xf32, #tpu.memory_space<vmem>>, vector<1x16xf32>,
      %swap3A_242 = vector.shape_cast %swap3A_241 : vector<1x16xf32> to vector<16xf32>
      %swap3A_243 = vector.shape_cast %broadcast_in_dim3A_238 : vector<16xf32> to vector<1x16xf32>
      tpu.vector_store %arg15[%swap3A_239, %swap3A_240], %swap3A_243 {strides = array<i32>} : memref<48x128xf32, #tpu.memory_space<vmem>>, vector<1x16xf32>,
      %broadcast_in_dim3A_244 = arith.constant 0.000000e+00 : f32
      %broadcast_in_dim3A_245 = vector.broadcast %broadcast_in_dim3A_244 : f32 to vector<16xf32>
      %swap3A_246 = arith.index_cast %scan3A_215 : i32 to index
      %swap3A_247 = arith.constant 64 : index
      %swap3A_248 = tpu.vector_load %arg15[%swap3A_246, %swap3A_247] {strides = array<i32>} : memref<48x128xf32, #tpu.memory_space<vmem>>, vector<1x16xf32>,
      %swap3A_249 = vector.shape_cast %swap3A_248 : vector<1x16xf32> to vector<16xf32>
      %swap3A_250 = vector.shape_cast %broadcast_in_dim3A_245 : vector<16xf32> to vector<1x16xf32>
      tpu.vector_store %arg15[%swap3A_246, %swap3A_247], %swap3A_250 {strides = array<i32>} : memref<48x128xf32, #tpu.memory_space<vmem>>, vector<1x16xf32>,
      %broadcast_in_dim3A_251 = arith.constant 0.000000e+00 : f32
      %broadcast_in_dim3A_252 = vector.broadcast %broadcast_in_dim3A_251 : f32 to vector<16xf32>
      %swap3A_253 = arith.index_cast %scan3A_215 : i32 to index
      %swap3A_254 = arith.constant 80 : index
      %swap3A_255 = tpu.vector_load %arg15[%swap3A_253, %swap3A_254] {strides = array<i32>} : memref<48x128xf32, #tpu.memory_space<vmem>>, vector<1x16xf32>,
      %swap3A_256 = vector.shape_cast %swap3A_255 : vector<1x16xf32> to vector<16xf32>
      %swap3A_257 = vector.shape_cast %broadcast_in_dim3A_252 : vector<16xf32> to vector<1x16xf32>
      tpu.vector_store %arg15[%swap3A_253, %swap3A_254], %swap3A_257 {strides = array<i32>} : memref<48x128xf32, #tpu.memory_space<vmem>>, vector<1x16xf32>,
      %broadcast_in_dim3A_258 = arith.constant 0.000000e+00 : f32
      %broadcast_in_dim3A_259 = vector.broadcast %broadcast_in_dim3A_258 : f32 to vector<16xf32>
      %swap3A_260 = arith.index_cast %scan3A_215 : i32 to index
      %swap3A_261 = arith.constant 96 : index
      %swap3A_262 = tpu.vector_load %arg15[%swap3A_260, %swap3A_261] {strides = array<i32>} : memref<48x128xf32, #tpu.memory_space<vmem>>, vector<1x16xf32>,
      %swap3A_263 = vector.shape_cast %swap3A_262 : vector<1x16xf32> to vector<16xf32>
      %swap3A_264 = vector.shape_cast %broadcast_in_dim3A_259 : vector<16xf32> to vector<1x16xf32>
      tpu.vector_store %arg15[%swap3A_260, %swap3A_261], %swap3A_264 {strides = array<i32>} : memref<48x128xf32, #tpu.memory_space<vmem>>, vector<1x16xf32>,
      %broadcast_in_dim3A_265 = arith.constant 0.000000e+00 : f32
      %broadcast_in_dim3A_266 = vector.broadcast %broadcast_in_dim3A_265 : f32 to vector<16xf32>
      %swap3A_267 = arith.index_cast %scan3A_215 : i32 to index
      %swap3A_268 = arith.constant 112 : index
      %swap3A_269 = tpu.vector_load %arg15[%swap3A_267, %swap3A_268] {strides = array<i32>} : memref<48x128xf32, #tpu.memory_space<vmem>>, vector<1x16xf32>,
      %swap3A_270 = vector.shape_cast %swap3A_269 : vector<1x16xf32> to vector<16xf32>
      %swap3A_271 = vector.shape_cast %broadcast_in_dim3A_266 : vector<16xf32> to vector<1x16xf32>
      tpu.vector_store %arg15[%swap3A_267, %swap3A_268], %swap3A_271 {strides = array<i32>} : memref<48x128xf32, #tpu.memory_space<vmem>>, vector<1x16xf32>,
    }
    %scan3A_89 = arith.constant 48 : i32
    %scan3A_90 = arith.constant 0 : i32
    %scan3A_91 = arith.constant 0 : i32
    %scan3A_92 = arith.constant 39 : i32
    %scan3A_93 = arith.addi %scan3A_91, %scan3A_92 : i32
    %scan3A_94 = arith.constant 1 : i32
    scf.for %scan3A_215 = %scan3A_91 to %scan3A_93 step %scan3A_94  : i32 {
      %broadcast_in_dim3A_216 = arith.constant 0.000000e+00 : f32
      %broadcast_in_dim3A_217 = vector.broadcast %broadcast_in_dim3A_216 : f32 to vector<16xf32>
      %mul3A_218 = arith.constant 16 : i32
      %mul3A_219 = arith.muli %scan3A_215, %mul3A_218 : i32
      %swap3A_220 = arith.index_cast %mul3A_219 : i32 to index
      %swap3A_221 = tpu.vector_load %arg14[%swap3A_220] {strides = array<i32>} : memref<624xf32, #tpu.memory_space<vmem>>, vector<16xf32>,
      %swap3A_222 = vector.shape_cast %swap3A_221 : vector<16xf32> to vector<16xf32>
      %swap3A_223 = vector.shape_cast %broadcast_in_dim3A_217 : vector<16xf32> to vector<16xf32>
      tpu.vector_store %arg14[%swap3A_220], %swap3A_223 {strides = array<i32>} : memref<624xf32, #tpu.memory_space<vmem>>, vector<16xf32>,
    }
    %scan3A_95 = arith.constant 39 : i32
    %mul3A_96 = arith.constant 624 : i32
    %mul3A_97 = arith.muli %arg1, %mul3A_96 : i32
    %add3A_98 = arith.constant 0 : i32
    %add3A_99 = arith.addi %mul3A_97, %add3A_98 : i32
    "tpu.region"() ({
      %run_scoped3A_215 = tpu.sem_alloc : memref<!tpu.dma_semaphore, #tpu.memory_space<semaphore_mem>>
      %dma_start3A_216 = arith.constant 0 : i32
      %dma_start3A_217 = tpu.memref_slice %arg16[%add3A_99, %dma_start3A_216] : memref<10000x128xf32, #tpu.memory_space<vmem_shared>> -> memref<48x128xf32, #tpu.memory_space<vmem_shared>>
      %dma_start3A_218 = arith.constant 0 : i32
      %dma_start3A_219 = tpu.memref_slice %arg16[%add3A_99, %dma_start3A_218] : memref<10000x128xf32, #tpu.memory_space<vmem_shared>> -> memref<48x128xf32, #tpu.memory_space<vmem_shared>>
      tpu.enqueue_dma source(%arg15 : memref<48x128xf32, #tpu.memory_space<vmem>>) target(%dma_start3A_219 : memref<48x128xf32, #tpu.memory_space<vmem_shared>>) target_semaphore(%run_scoped3A_215 : memref<!tpu.dma_semaphore, #tpu.memory_space<semaphore_mem>>)
      %dma_wait3A_220 = arith.constant 0 : i32
      %dma_wait3A_221 = tpu.memref_slice %arg16[%add3A_99, %dma_wait3A_220] : memref<10000x128xf32, #tpu.memory_space<vmem_shared>> -> memref<48x128xf32, #tpu.memory_space<vmem_shared>>
      %dma_wait3A_222 = arith.constant 0 : i32
      %dma_wait3A_223 = tpu.memref_slice %arg16[%add3A_99, %dma_wait3A_222] : memref<10000x128xf32, #tpu.memory_space<vmem_shared>> -> memref<48x128xf32, #tpu.memory_space<vmem_shared>>
      tpu.wait_dma2 semaphore(%run_scoped3A_215 : memref<!tpu.dma_semaphore, #tpu.memory_space<semaphore_mem>>) src(%arg15 : memref<48x128xf32, #tpu.memory_space<vmem>>) dst(%dma_wait3A_223 : memref<48x128xf32, #tpu.memory_space<vmem_shared>>)
      tpu.yield
    }) : () -> ()
    %mul3A_100 = arith.constant 624 : i32
    %mul3A_101 = arith.muli %arg1, %mul3A_100 : i32
    %add3A_102 = arith.constant 48 : i32
    %add3A_103 = arith.addi %mul3A_101, %add3A_102 : i32
    "tpu.region"() ({
      %run_scoped3A_215 = tpu.sem_alloc : memref<!tpu.dma_semaphore, #tpu.memory_space<semaphore_mem>>
      %dma_start3A_216 = arith.constant 0 : i32
      %dma_start3A_217 = tpu.memref_slice %arg16[%add3A_103, %dma_start3A_216] : memref<10000x128xf32, #tpu.memory_space<vmem_shared>> -> memref<48x128xf32, #tpu.memory_space<vmem_shared>>
      %dma_start3A_218 = arith.constant 0 : i32
      %dma_start3A_219 = tpu.memref_slice %arg16[%add3A_103, %dma_start3A_218] : memref<10000x128xf32, #tpu.memory_space<vmem_shared>> -> memref<48x128xf32, #tpu.memory_space<vmem_shared>>
      tpu.enqueue_dma source(%arg15 : memref<48x128xf32, #tpu.memory_space<vmem>>) target(%dma_start3A_219 : memref<48x128xf32, #tpu.memory_space<vmem_shared>>) target_semaphore(%run_scoped3A_215 : memref<!tpu.dma_semaphore, #tpu.memory_space<semaphore_mem>>)
      %dma_wait3A_220 = arith.constant 0 : i32
      %dma_wait3A_221 = tpu.memref_slice %arg16[%add3A_103, %dma_wait3A_220] : memref<10000x128xf32, #tpu.memory_space<vmem_shared>> -> memref<48x128xf32, #tpu.memory_space<vmem_shared>>
      %dma_wait3A_222 = arith.constant 0 : i32
      %dma_wait3A_223 = tpu.memref_slice %arg16[%add3A_103, %dma_wait3A_222] : memref<10000x128xf32, #tpu.memory_space<vmem_shared>> -> memref<48x128xf32, #tpu.memory_space<vmem_shared>>
      tpu.wait_dma2 semaphore(%run_scoped3A_215 : memref<!tpu.dma_semaphore, #tpu.memory_space<semaphore_mem>>) src(%arg15 : memref<48x128xf32, #tpu.memory_space<vmem>>) dst(%dma_wait3A_223 : memref<48x128xf32, #tpu.memory_space<vmem_shared>>)
      tpu.yield
    }) : () -> ()
    %mul3A_104 = arith.constant 624 : i32
    %mul3A_105 = arith.muli %arg1, %mul3A_104 : i32
    %add3A_106 = arith.constant 96 : i32
    %add3A_107 = arith.addi %mul3A_105, %add3A_106 : i32
    "tpu.region"() ({
      %run_scoped3A_215 = tpu.sem_alloc : memref<!tpu.dma_semaphore, #tpu.memory_space<semaphore_mem>>
      %dma_start3A_216 = arith.constant 0 : i32
      %dma_start3A_217 = tpu.memref_slice %arg16[%add3A_107, %dma_start3A_216] : memref<10000x128xf32, #tpu.memory_space<vmem_shared>> -> memref<48x128xf32, #tpu.memory_space<vmem_shared>>
      %dma_start3A_218 = arith.constant 0 : i32
      %dma_start3A_219 = tpu.memref_slice %arg16[%add3A_107, %dma_start3A_218] : memref<10000x128xf32, #tpu.memory_space<vmem_shared>> -> memref<48x128xf32, #tpu.memory_space<vmem_shared>>
      tpu.enqueue_dma source(%arg15 : memref<48x128xf32, #tpu.memory_space<vmem>>) target(%dma_start3A_219 : memref<48x128xf32, #tpu.memory_space<vmem_shared>>) target_semaphore(%run_scoped3A_215 : memref<!tpu.dma_semaphore, #tpu.memory_space<semaphore_mem>>)
      %dma_wait3A_220 = arith.constant 0 : i32
      %dma_wait3A_221 = tpu.memref_slice %arg16[%add3A_107, %dma_wait3A_220] : memref<10000x128xf32, #tpu.memory_space<vmem_shared>> -> memref<48x128xf32, #tpu.memory_space<vmem_shared>>
      %dma_wait3A_222 = arith.constant 0 : i32
      %dma_wait3A_223 = tpu.memref_slice %arg16[%add3A_107, %dma_wait3A_222] : memref<10000x128xf32, #tpu.memory_space<vmem_shared>> -> memref<48x128xf32, #tpu.memory_space<vmem_shared>>
      tpu.wait_dma2 semaphore(%run_scoped3A_215 : memref<!tpu.dma_semaphore, #tpu.memory_space<semaphore_mem>>) src(%arg15 : memref<48x128xf32, #tpu.memory_space<vmem>>) dst(%dma_wait3A_223 : memref<48x128xf32, #tpu.memory_space<vmem_shared>>)
      tpu.yield
    }) : () -> ()
    %mul3A_108 = arith.constant 624 : i32
    %mul3A_109 = arith.muli %arg1, %mul3A_108 : i32
    %add3A_110 = arith.constant 144 : i32
    %add3A_111 = arith.addi %mul3A_109, %add3A_110 : i32
    "tpu.region"() ({
      %run_scoped3A_215 = tpu.sem_alloc : memref<!tpu.dma_semaphore, #tpu.memory_space<semaphore_mem>>
      %dma_start3A_216 = arith.constant 0 : i32
      %dma_start3A_217 = tpu.memref_slice %arg16[%add3A_111, %dma_start3A_216] : memref<10000x128xf32, #tpu.memory_space<vmem_shared>> -> memref<48x128xf32, #tpu.memory_space<vmem_shared>>
      %dma_start3A_218 = arith.constant 0 : i32
      %dma_start3A_219 = tpu.memref_slice %arg16[%add3A_111, %dma_start3A_218] : memref<10000x128xf32, #tpu.memory_space<vmem_shared>> -> memref<48x128xf32, #tpu.memory_space<vmem_shared>>
      tpu.enqueue_dma source(%arg15 : memref<48x128xf32, #tpu.memory_space<vmem>>) target(%dma_start3A_219 : memref<48x128xf32, #tpu.memory_space<vmem_shared>>) target_semaphore(%run_scoped3A_215 : memref<!tpu.dma_semaphore, #tpu.memory_space<semaphore_mem>>)
      %dma_wait3A_220 = arith.constant 0 : i32
      %dma_wait3A_221 = tpu.memref_slice %arg16[%add3A_111, %dma_wait3A_220] : memref<10000x128xf32, #tpu.memory_space<vmem_shared>> -> memref<48x128xf32, #tpu.memory_space<vmem_shared>>
      %dma_wait3A_222 = arith.constant 0 : i32
      %dma_wait3A_223 = tpu.memref_slice %arg16[%add3A_111, %dma_wait3A_222] : memref<10000x128xf32, #tpu.memory_space<vmem_shared>> -> memref<48x128xf32, #tpu.memory_space<vmem_shared>>
      tpu.wait_dma2 semaphore(%run_scoped3A_215 : memref<!tpu.dma_semaphore, #tpu.memory_space<semaphore_mem>>) src(%arg15 : memref<48x128xf32, #tpu.memory_space<vmem>>) dst(%dma_wait3A_223 : memref<48x128xf32, #tpu.memory_space<vmem_shared>>)
      tpu.yield
    }) : () -> ()
    %mul3A_112 = arith.constant 624 : i32
    %mul3A_113 = arith.muli %arg1, %mul3A_112 : i32
    %add3A_114 = arith.constant 192 : i32
    %add3A_115 = arith.addi %mul3A_113, %add3A_114 : i32
    "tpu.region"() ({
      %run_scoped3A_215 = tpu.sem_alloc : memref<!tpu.dma_semaphore, #tpu.memory_space<semaphore_mem>>
      %dma_start3A_216 = arith.constant 0 : i32
      %dma_start3A_217 = tpu.memref_slice %arg16[%add3A_115, %dma_start3A_216] : memref<10000x128xf32, #tpu.memory_space<vmem_shared>> -> memref<48x128xf32, #tpu.memory_space<vmem_shared>>
      %dma_start3A_218 = arith.constant 0 : i32
      %dma_start3A_219 = tpu.memref_slice %arg16[%add3A_115, %dma_start3A_218] : memref<10000x128xf32, #tpu.memory_space<vmem_shared>> -> memref<48x128xf32, #tpu.memory_space<vmem_shared>>
      tpu.enqueue_dma source(%arg15 : memref<48x128xf32, #tpu.memory_space<vmem>>) target(%dma_start3A_219 : memref<48x128xf32, #tpu.memory_space<vmem_shared>>) target_semaphore(%run_scoped3A_215 : memref<!tpu.dma_semaphore, #tpu.memory_space<semaphore_mem>>)
      %dma_wait3A_220 = arith.constant 0 : i32
      %dma_wait3A_221 = tpu.memref_slice %arg16[%add3A_115, %dma_wait3A_220] : memref<10000x128xf32, #tpu.memory_space<vmem_shared>> -> memref<48x128xf32, #tpu.memory_space<vmem_shared>>
      %dma_wait3A_222 = arith.constant 0 : i32
      %dma_wait3A_223 = tpu.memref_slice %arg16[%add3A_115, %dma_wait3A_222] : memref<10000x128xf32, #tpu.memory_space<vmem_shared>> -> memref<48x128xf32, #tpu.memory_space<vmem_shared>>
      tpu.wait_dma2 semaphore(%run_scoped3A_215 : memref<!tpu.dma_semaphore, #tpu.memory_space<semaphore_mem>>) src(%arg15 : memref<48x128xf32, #tpu.memory_space<vmem>>) dst(%dma_wait3A_223 : memref<48x128xf32, #tpu.memory_space<vmem_shared>>)
      tpu.yield
    }) : () -> ()
    %mul3A_116 = arith.constant 624 : i32
    %mul3A_117 = arith.muli %arg1, %mul3A_116 : i32
    %add3A_118 = arith.constant 240 : i32
    %add3A_119 = arith.addi %mul3A_117, %add3A_118 : i32
    "tpu.region"() ({
      %run_scoped3A_215 = tpu.sem_alloc : memref<!tpu.dma_semaphore, #tpu.memory_space<semaphore_mem>>
      %dma_start3A_216 = arith.constant 0 : i32
      %dma_start3A_217 = tpu.memref_slice %arg16[%add3A_119, %dma_start3A_216] : memref<10000x128xf32, #tpu.memory_space<vmem_shared>> -> memref<48x128xf32, #tpu.memory_space<vmem_shared>>
      %dma_start3A_218 = arith.constant 0 : i32
      %dma_start3A_219 = tpu.memref_slice %arg16[%add3A_119, %dma_start3A_218] : memref<10000x128xf32, #tpu.memory_space<vmem_shared>> -> memref<48x128xf32, #tpu.memory_space<vmem_shared>>
      tpu.enqueue_dma source(%arg15 : memref<48x128xf32, #tpu.memory_space<vmem>>) target(%dma_start3A_219 : memref<48x128xf32, #tpu.memory_space<vmem_shared>>) target_semaphore(%run_scoped3A_215 : memref<!tpu.dma_semaphore, #tpu.memory_space<semaphore_mem>>)
      %dma_wait3A_220 = arith.constant 0 : i32
      %dma_wait3A_221 = tpu.memref_slice %arg16[%add3A_119, %dma_wait3A_220] : memref<10000x128xf32, #tpu.memory_space<vmem_shared>> -> memref<48x128xf32, #tpu.memory_space<vmem_shared>>
      %dma_wait3A_222 = arith.constant 0 : i32
      %dma_wait3A_223 = tpu.memref_slice %arg16[%add3A_119, %dma_wait3A_222] : memref<10000x128xf32, #tpu.memory_space<vmem_shared>> -> memref<48x128xf32, #tpu.memory_space<vmem_shared>>
      tpu.wait_dma2 semaphore(%run_scoped3A_215 : memref<!tpu.dma_semaphore, #tpu.memory_space<semaphore_mem>>) src(%arg15 : memref<48x128xf32, #tpu.memory_space<vmem>>) dst(%dma_wait3A_223 : memref<48x128xf32, #tpu.memory_space<vmem_shared>>)
      tpu.yield
    }) : () -> ()
    %mul3A_120 = arith.constant 624 : i32
    %mul3A_121 = arith.muli %arg1, %mul3A_120 : i32
    %add3A_122 = arith.constant 288 : i32
    %add3A_123 = arith.addi %mul3A_121, %add3A_122 : i32
    "tpu.region"() ({
      %run_scoped3A_215 = tpu.sem_alloc : memref<!tpu.dma_semaphore, #tpu.memory_space<semaphore_mem>>
      %dma_start3A_216 = arith.constant 0 : i32
      %dma_start3A_217 = tpu.memref_slice %arg16[%add3A_123, %dma_start3A_216] : memref<10000x128xf32, #tpu.memory_space<vmem_shared>> -> memref<48x128xf32, #tpu.memory_space<vmem_shared>>
      %dma_start3A_218 = arith.constant 0 : i32
      %dma_start3A_219 = tpu.memref_slice %arg16[%add3A_123, %dma_start3A_218] : memref<10000x128xf32, #tpu.memory_space<vmem_shared>> -> memref<48x128xf32, #tpu.memory_space<vmem_shared>>
      tpu.enqueue_dma source(%arg15 : memref<48x128xf32, #tpu.memory_space<vmem>>) target(%dma_start3A_219 : memref<48x128xf32, #tpu.memory_space<vmem_shared>>) target_semaphore(%run_scoped3A_215 : memref<!tpu.dma_semaphore, #tpu.memory_space<semaphore_mem>>)
      %dma_wait3A_220 = arith.constant 0 : i32
      %dma_wait3A_221 = tpu.memref_slice %arg16[%add3A_123, %dma_wait3A_220] : memref<10000x128xf32, #tpu.memory_space<vmem_shared>> -> memref<48x128xf32, #tpu.memory_space<vmem_shared>>
      %dma_wait3A_222 = arith.constant 0 : i32
      %dma_wait3A_223 = tpu.memref_slice %arg16[%add3A_123, %dma_wait3A_222] : memref<10000x128xf32, #tpu.memory_space<vmem_shared>> -> memref<48x128xf32, #tpu.memory_space<vmem_shared>>
      tpu.wait_dma2 semaphore(%run_scoped3A_215 : memref<!tpu.dma_semaphore, #tpu.memory_space<semaphore_mem>>) src(%arg15 : memref<48x128xf32, #tpu.memory_space<vmem>>) dst(%dma_wait3A_223 : memref<48x128xf32, #tpu.memory_space<vmem_shared>>)
      tpu.yield
    }) : () -> ()
    %mul3A_124 = arith.constant 624 : i32
    %mul3A_125 = arith.muli %arg1, %mul3A_124 : i32
    %add3A_126 = arith.constant 336 : i32
    %add3A_127 = arith.addi %mul3A_125, %add3A_126 : i32
    "tpu.region"() ({
      %run_scoped3A_215 = tpu.sem_alloc : memref<!tpu.dma_semaphore, #tpu.memory_space<semaphore_mem>>
      %dma_start3A_216 = arith.constant 0 : i32
      %dma_start3A_217 = tpu.memref_slice %arg16[%add3A_127, %dma_start3A_216] : memref<10000x128xf32, #tpu.memory_space<vmem_shared>> -> memref<48x128xf32, #tpu.memory_space<vmem_shared>>
      %dma_start3A_218 = arith.constant 0 : i32
      %dma_start3A_219 = tpu.memref_slice %arg16[%add3A_127, %dma_start3A_218] : memref<10000x128xf32, #tpu.memory_space<vmem_shared>> -> memref<48x128xf32, #tpu.memory_space<vmem_shared>>
      tpu.enqueue_dma source(%arg15 : memref<48x128xf32, #tpu.memory_space<vmem>>) target(%dma_start3A_219 : memref<48x128xf32, #tpu.memory_space<vmem_shared>>) target_semaphore(%run_scoped3A_215 : memref<!tpu.dma_semaphore, #tpu.memory_space<semaphore_mem>>)
      %dma_wait3A_220 = arith.constant 0 : i32
      %dma_wait3A_221 = tpu.memref_slice %arg16[%add3A_127, %dma_wait3A_220] : memref<10000x128xf32, #tpu.memory_space<vmem_shared>> -> memref<48x128xf32, #tpu.memory_space<vmem_shared>>
      %dma_wait3A_222 = arith.constant 0 : i32
      %dma_wait3A_223 = tpu.memref_slice %arg16[%add3A_127, %dma_wait3A_222] : memref<10000x128xf32, #tpu.memory_space<vmem_shared>> -> memref<48x128xf32, #tpu.memory_space<vmem_shared>>
      tpu.wait_dma2 semaphore(%run_scoped3A_215 : memref<!tpu.dma_semaphore, #tpu.memory_space<semaphore_mem>>) src(%arg15 : memref<48x128xf32, #tpu.memory_space<vmem>>) dst(%dma_wait3A_223 : memref<48x128xf32, #tpu.memory_space<vmem_shared>>)
      tpu.yield
    }) : () -> ()
    %mul3A_128 = arith.constant 624 : i32
    %mul3A_129 = arith.muli %arg1, %mul3A_128 : i32
    %add3A_130 = arith.constant 384 : i32
    %add3A_131 = arith.addi %mul3A_129, %add3A_130 : i32
    "tpu.region"() ({
      %run_scoped3A_215 = tpu.sem_alloc : memref<!tpu.dma_semaphore, #tpu.memory_space<semaphore_mem>>
      %dma_start3A_216 = arith.constant 0 : i32
      %dma_start3A_217 = tpu.memref_slice %arg16[%add3A_131, %dma_start3A_216] : memref<10000x128xf32, #tpu.memory_space<vmem_shared>> -> memref<48x128xf32, #tpu.memory_space<vmem_shared>>
      %dma_start3A_218 = arith.constant 0 : i32
      %dma_start3A_219 = tpu.memref_slice %arg16[%add3A_131, %dma_start3A_218] : memref<10000x128xf32, #tpu.memory_space<vmem_shared>> -> memref<48x128xf32, #tpu.memory_space<vmem_shared>>
      tpu.enqueue_dma source(%arg15 : memref<48x128xf32, #tpu.memory_space<vmem>>) target(%dma_start3A_219 : memref<48x128xf32, #tpu.memory_space<vmem_shared>>) target_semaphore(%run_scoped3A_215 : memref<!tpu.dma_semaphore, #tpu.memory_space<semaphore_mem>>)
      %dma_wait3A_220 = arith.constant 0 : i32
      %dma_wait3A_221 = tpu.memref_slice %arg16[%add3A_131, %dma_wait3A_220] : memref<10000x128xf32, #tpu.memory_space<vmem_shared>> -> memref<48x128xf32, #tpu.memory_space<vmem_shared>>
      %dma_wait3A_222 = arith.constant 0 : i32
      %dma_wait3A_223 = tpu.memref_slice %arg16[%add3A_131, %dma_wait3A_222] : memref<10000x128xf32, #tpu.memory_space<vmem_shared>> -> memref<48x128xf32, #tpu.memory_space<vmem_shared>>
      tpu.wait_dma2 semaphore(%run_scoped3A_215 : memref<!tpu.dma_semaphore, #tpu.memory_space<semaphore_mem>>) src(%arg15 : memref<48x128xf32, #tpu.memory_space<vmem>>) dst(%dma_wait3A_223 : memref<48x128xf32, #tpu.memory_space<vmem_shared>>)
      tpu.yield
    }) : () -> ()
    %mul3A_132 = arith.constant 624 : i32
    %mul3A_133 = arith.muli %arg1, %mul3A_132 : i32
    %add3A_134 = arith.constant 432 : i32
    %add3A_135 = arith.addi %mul3A_133, %add3A_134 : i32
    "tpu.region"() ({
      %run_scoped3A_215 = tpu.sem_alloc : memref<!tpu.dma_semaphore, #tpu.memory_space<semaphore_mem>>
      %dma_start3A_216 = arith.constant 0 : i32
      %dma_start3A_217 = tpu.memref_slice %arg16[%add3A_135, %dma_start3A_216] : memref<10000x128xf32, #tpu.memory_space<vmem_shared>> -> memref<48x128xf32, #tpu.memory_space<vmem_shared>>
      %dma_start3A_218 = arith.constant 0 : i32
      %dma_start3A_219 = tpu.memref_slice %arg16[%add3A_135, %dma_start3A_218] : memref<10000x128xf32, #tpu.memory_space<vmem_shared>> -> memref<48x128xf32, #tpu.memory_space<vmem_shared>>
      tpu.enqueue_dma source(%arg15 : memref<48x128xf32, #tpu.memory_space<vmem>>) target(%dma_start3A_219 : memref<48x128xf32, #tpu.memory_space<vmem_shared>>) target_semaphore(%run_scoped3A_215 : memref<!tpu.dma_semaphore, #tpu.memory_space<semaphore_mem>>)
      %dma_wait3A_220 = arith.constant 0 : i32
      %dma_wait3A_221 = tpu.memref_slice %arg16[%add3A_135, %dma_wait3A_220] : memref<10000x128xf32, #tpu.memory_space<vmem_shared>> -> memref<48x128xf32, #tpu.memory_space<vmem_shared>>
      %dma_wait3A_222 = arith.constant 0 : i32
      %dma_wait3A_223 = tpu.memref_slice %arg16[%add3A_135, %dma_wait3A_222] : memref<10000x128xf32, #tpu.memory_space<vmem_shared>> -> memref<48x128xf32, #tpu.memory_space<vmem_shared>>
      tpu.wait_dma2 semaphore(%run_scoped3A_215 : memref<!tpu.dma_semaphore, #tpu.memory_space<semaphore_mem>>) src(%arg15 : memref<48x128xf32, #tpu.memory_space<vmem>>) dst(%dma_wait3A_223 : memref<48x128xf32, #tpu.memory_space<vmem_shared>>)
      tpu.yield
    }) : () -> ()
    %mul3A_136 = arith.constant 624 : i32
    %mul3A_137 = arith.muli %arg1, %mul3A_136 : i32
    %add3A_138 = arith.constant 480 : i32
    %add3A_139 = arith.addi %mul3A_137, %add3A_138 : i32
    "tpu.region"() ({
      %run_scoped3A_215 = tpu.sem_alloc : memref<!tpu.dma_semaphore, #tpu.memory_space<semaphore_mem>>
      %dma_start3A_216 = arith.constant 0 : i32
      %dma_start3A_217 = tpu.memref_slice %arg16[%add3A_139, %dma_start3A_216] : memref<10000x128xf32, #tpu.memory_space<vmem_shared>> -> memref<48x128xf32, #tpu.memory_space<vmem_shared>>
      %dma_start3A_218 = arith.constant 0 : i32
      %dma_start3A_219 = tpu.memref_slice %arg16[%add3A_139, %dma_start3A_218] : memref<10000x128xf32, #tpu.memory_space<vmem_shared>> -> memref<48x128xf32, #tpu.memory_space<vmem_shared>>
      tpu.enqueue_dma source(%arg15 : memref<48x128xf32, #tpu.memory_space<vmem>>) target(%dma_start3A_219 : memref<48x128xf32, #tpu.memory_space<vmem_shared>>) target_semaphore(%run_scoped3A_215 : memref<!tpu.dma_semaphore, #tpu.memory_space<semaphore_mem>>)
      %dma_wait3A_220 = arith.constant 0 : i32
      %dma_wait3A_221 = tpu.memref_slice %arg16[%add3A_139, %dma_wait3A_220] : memref<10000x128xf32, #tpu.memory_space<vmem_shared>> -> memref<48x128xf32, #tpu.memory_space<vmem_shared>>
      %dma_wait3A_222 = arith.constant 0 : i32
      %dma_wait3A_223 = tpu.memref_slice %arg16[%add3A_139, %dma_wait3A_222] : memref<10000x128xf32, #tpu.memory_space<vmem_shared>> -> memref<48x128xf32, #tpu.memory_space<vmem_shared>>
      tpu.wait_dma2 semaphore(%run_scoped3A_215 : memref<!tpu.dma_semaphore, #tpu.memory_space<semaphore_mem>>) src(%arg15 : memref<48x128xf32, #tpu.memory_space<vmem>>) dst(%dma_wait3A_223 : memref<48x128xf32, #tpu.memory_space<vmem_shared>>)
      tpu.yield
    }) : () -> ()
    %mul3A_140 = arith.constant 624 : i32
    %mul3A_141 = arith.muli %arg1, %mul3A_140 : i32
    %add3A_142 = arith.constant 528 : i32
    %add3A_143 = arith.addi %mul3A_141, %add3A_142 : i32
    "tpu.region"() ({
      %run_scoped3A_215 = tpu.sem_alloc : memref<!tpu.dma_semaphore, #tpu.memory_space<semaphore_mem>>
      %dma_start3A_216 = arith.constant 0 : i32
      %dma_start3A_217 = tpu.memref_slice %arg16[%add3A_143, %dma_start3A_216] : memref<10000x128xf32, #tpu.memory_space<vmem_shared>> -> memref<48x128xf32, #tpu.memory_space<vmem_shared>>
      %dma_start3A_218 = arith.constant 0 : i32
      %dma_start3A_219 = tpu.memref_slice %arg16[%add3A_143, %dma_start3A_218] : memref<10000x128xf32, #tpu.memory_space<vmem_shared>> -> memref<48x128xf32, #tpu.memory_space<vmem_shared>>
      tpu.enqueue_dma source(%arg15 : memref<48x128xf32, #tpu.memory_space<vmem>>) target(%dma_start3A_219 : memref<48x128xf32, #tpu.memory_space<vmem_shared>>) target_semaphore(%run_scoped3A_215 : memref<!tpu.dma_semaphore, #tpu.memory_space<semaphore_mem>>)
      %dma_wait3A_220 = arith.constant 0 : i32
      %dma_wait3A_221 = tpu.memref_slice %arg16[%add3A_143, %dma_wait3A_220] : memref<10000x128xf32, #tpu.memory_space<vmem_shared>> -> memref<48x128xf32, #tpu.memory_space<vmem_shared>>
      %dma_wait3A_222 = arith.constant 0 : i32
      %dma_wait3A_223 = tpu.memref_slice %arg16[%add3A_143, %dma_wait3A_222] : memref<10000x128xf32, #tpu.memory_space<vmem_shared>> -> memref<48x128xf32, #tpu.memory_space<vmem_shared>>
      tpu.wait_dma2 semaphore(%run_scoped3A_215 : memref<!tpu.dma_semaphore, #tpu.memory_space<semaphore_mem>>) src(%arg15 : memref<48x128xf32, #tpu.memory_space<vmem>>) dst(%dma_wait3A_223 : memref<48x128xf32, #tpu.memory_space<vmem_shared>>)
      tpu.yield
    }) : () -> ()
    %mul3A_144 = arith.constant 624 : i32
    %mul3A_145 = arith.muli %arg1, %mul3A_144 : i32
    %add3A_146 = arith.constant 576 : i32
    %add3A_147 = arith.addi %mul3A_145, %add3A_146 : i32
    "tpu.region"() ({
      %run_scoped3A_215 = tpu.sem_alloc : memref<!tpu.dma_semaphore, #tpu.memory_space<semaphore_mem>>
      %dma_start3A_216 = arith.constant 0 : i32
      %dma_start3A_217 = tpu.memref_slice %arg16[%add3A_147, %dma_start3A_216] : memref<10000x128xf32, #tpu.memory_space<vmem_shared>> -> memref<48x128xf32, #tpu.memory_space<vmem_shared>>
      %dma_start3A_218 = arith.constant 0 : i32
      %dma_start3A_219 = tpu.memref_slice %arg16[%add3A_147, %dma_start3A_218] : memref<10000x128xf32, #tpu.memory_space<vmem_shared>> -> memref<48x128xf32, #tpu.memory_space<vmem_shared>>
      tpu.enqueue_dma source(%arg15 : memref<48x128xf32, #tpu.memory_space<vmem>>) target(%dma_start3A_219 : memref<48x128xf32, #tpu.memory_space<vmem_shared>>) target_semaphore(%run_scoped3A_215 : memref<!tpu.dma_semaphore, #tpu.memory_space<semaphore_mem>>)
      %dma_wait3A_220 = arith.constant 0 : i32
      %dma_wait3A_221 = tpu.memref_slice %arg16[%add3A_147, %dma_wait3A_220] : memref<10000x128xf32, #tpu.memory_space<vmem_shared>> -> memref<48x128xf32, #tpu.memory_space<vmem_shared>>
      %dma_wait3A_222 = arith.constant 0 : i32
      %dma_wait3A_223 = tpu.memref_slice %arg16[%add3A_147, %dma_wait3A_222] : memref<10000x128xf32, #tpu.memory_space<vmem_shared>> -> memref<48x128xf32, #tpu.memory_space<vmem_shared>>
      tpu.wait_dma2 semaphore(%run_scoped3A_215 : memref<!tpu.dma_semaphore, #tpu.memory_space<semaphore_mem>>) src(%arg15 : memref<48x128xf32, #tpu.memory_space<vmem>>) dst(%dma_wait3A_223 : memref<48x128xf32, #tpu.memory_space<vmem_shared>>)
      tpu.yield
    }) : () -> ()
    %mul3A_148 = arith.constant 624 : i32
    %mul3A_149 = arith.muli %arg1, %mul3A_148 : i32
    "tpu.region"() ({
      %run_scoped3A_215 = tpu.sem_alloc : memref<!tpu.dma_semaphore, #tpu.memory_space<semaphore_mem>>
      %dma_start3A_216 = tpu.memref_slice %arg17[%mul3A_149] : memref<10000xf32, #tpu.memory_space<vmem_shared>> -> memref<624xf32, #tpu.memory_space<vmem_shared>>
      %dma_start3A_217 = tpu.memref_slice %arg17[%mul3A_149] : memref<10000xf32, #tpu.memory_space<vmem_shared>> -> memref<624xf32, #tpu.memory_space<vmem_shared>>
      tpu.enqueue_dma source(%arg14 : memref<624xf32, #tpu.memory_space<vmem>>) target(%dma_start3A_217 : memref<624xf32, #tpu.memory_space<vmem_shared>>) target_semaphore(%run_scoped3A_215 : memref<!tpu.dma_semaphore, #tpu.memory_space<semaphore_mem>>)
      %dma_wait3A_218 = tpu.memref_slice %arg17[%mul3A_149] : memref<10000xf32, #tpu.memory_space<vmem_shared>> -> memref<624xf32, #tpu.memory_space<vmem_shared>>
      %dma_wait3A_219 = tpu.memref_slice %arg17[%mul3A_149] : memref<10000xf32, #tpu.memory_space<vmem_shared>> -> memref<624xf32, #tpu.memory_space<vmem_shared>>
      tpu.wait_dma2 semaphore(%run_scoped3A_215 : memref<!tpu.dma_semaphore, #tpu.memory_space<semaphore_mem>>) src(%arg14 : memref<624xf32, #tpu.memory_space<vmem>>) dst(%dma_wait3A_219 : memref<624xf32, #tpu.memory_space<vmem_shared>>)
      tpu.yield
    }) : () -> ()
    %eq3A = arith.constant 0 : i32
    %eq3A_150 = arith.cmpi eq, %arg1, %eq3A : i32
    %convert_element_type3A = arith.extui %eq3A_150 : i1 to i32
    %cond3A = arith.constant 0 : i32
    %cond3A_151 = arith.cmpi ne, %convert_element_type3A, %cond3A : i32
    scf.if %cond3A_151 {
      "tpu.region"() ({
        %run_scoped3A_215 = tpu.sem_alloc : memref<!tpu.dma_semaphore, #tpu.memory_space<semaphore_mem>>
        %dma_start3A_216 = arith.constant 0 : i32
        %dma_start3A_217 = arith.constant 0 : i32
        %dma_start3A_218 = tpu.memref_slice %arg15[%dma_start3A_216, %dma_start3A_217] : memref<48x128xf32, #tpu.memory_space<vmem>> -> memref<16x128xf32, #tpu.memory_space<vmem>>
        %dma_start3A_219 = arith.constant 9984 : i32
        %dma_start3A_220 = arith.constant 0 : i32
        %dma_start3A_221 = tpu.memref_slice %arg16[%dma_start3A_219, %dma_start3A_220] : memref<10000x128xf32, #tpu.memory_space<vmem_shared>> -> memref<16x128xf32, #tpu.memory_space<vmem_shared>>
        %dma_start3A_222 = arith.constant 9984 : i32
        %dma_start3A_223 = arith.constant 0 : i32
        %dma_start3A_224 = tpu.memref_slice %arg16[%dma_start3A_222, %dma_start3A_223] : memref<10000x128xf32, #tpu.memory_space<vmem_shared>> -> memref<16x128xf32, #tpu.memory_space<vmem_shared>>
        %dma_start3A_225 = arith.constant 0 : i32
        %dma_start3A_226 = arith.constant 0 : i32
        %dma_start3A_227 = tpu.memref_slice %arg15[%dma_start3A_225, %dma_start3A_226] : memref<48x128xf32, #tpu.memory_space<vmem>> -> memref<16x128xf32, #tpu.memory_space<vmem>>
        tpu.enqueue_dma source(%dma_start3A_227 : memref<16x128xf32, #tpu.memory_space<vmem>>) target(%dma_start3A_224 : memref<16x128xf32, #tpu.memory_space<vmem_shared>>) target_semaphore(%run_scoped3A_215 : memref<!tpu.dma_semaphore, #tpu.memory_space<semaphore_mem>>)
        %dma_wait3A_228 = arith.constant 0 : i32
        %dma_wait3A_229 = arith.constant 0 : i32
        %dma_wait3A_230 = tpu.memref_slice %arg15[%dma_wait3A_228, %dma_wait3A_229] : memref<48x128xf32, #tpu.memory_space<vmem>> -> memref<16x128xf32, #tpu.memory_space<vmem>>
        %dma_wait3A_231 = arith.constant 9984 : i32
        %dma_wait3A_232 = arith.constant 0 : i32
        %dma_wait3A_233 = tpu.memref_slice %arg16[%dma_wait3A_231, %dma_wait3A_232] : memref<10000x128xf32, #tpu.memory_space<vmem_shared>> -> memref<16x128xf32, #tpu.memory_space<vmem_shared>>
        %dma_wait3A_234 = arith.constant 9984 : i32
        %dma_wait3A_235 = arith.constant 0 : i32
        %dma_wait3A_236 = tpu.memref_slice %arg16[%dma_wait3A_234, %dma_wait3A_235] : memref<10000x128xf32, #tpu.memory_space<vmem_shared>> -> memref<16x128xf32, #tpu.memory_space<vmem_shared>>
        %dma_wait3A_237 = arith.constant 0 : i32
        %dma_wait3A_238 = arith.constant 0 : i32
        %dma_wait3A_239 = tpu.memref_slice %arg15[%dma_wait3A_237, %dma_wait3A_238] : memref<48x128xf32, #tpu.memory_space<vmem>> -> memref<16x128xf32, #tpu.memory_space<vmem>>
        tpu.wait_dma2 semaphore(%run_scoped3A_215 : memref<!tpu.dma_semaphore, #tpu.memory_space<semaphore_mem>>) src(%dma_wait3A_239 : memref<16x128xf32, #tpu.memory_space<vmem>>) dst(%dma_wait3A_236 : memref<16x128xf32, #tpu.memory_space<vmem_shared>>)
        tpu.yield
      }) : () -> ()
      "tpu.region"() ({
        %run_scoped3A_215 = tpu.sem_alloc : memref<!tpu.dma_semaphore, #tpu.memory_space<semaphore_mem>>
        %dma_start3A_216 = arith.constant 0 : i32
        %dma_start3A_217 = tpu.memref_slice %arg14[%dma_start3A_216] : memref<624xf32, #tpu.memory_space<vmem>> -> memref<16xf32, #tpu.memory_space<vmem>>
        %dma_start3A_218 = arith.constant 9984 : i32
        %dma_start3A_219 = tpu.memref_slice %arg17[%dma_start3A_218] : memref<10000xf32, #tpu.memory_space<vmem_shared>> -> memref<16xf32, #tpu.memory_space<vmem_shared>>
        %dma_start3A_220 = arith.constant 9984 : i32
        %dma_start3A_221 = tpu.memref_slice %arg17[%dma_start3A_220] : memref<10000xf32, #tpu.memory_space<vmem_shared>> -> memref<16xf32, #tpu.memory_space<vmem_shared>>
        %dma_start3A_222 = arith.constant 0 : i32
        %dma_start3A_223 = tpu.memref_slice %arg14[%dma_start3A_222] : memref<624xf32, #tpu.memory_space<vmem>> -> memref<16xf32, #tpu.memory_space<vmem>>
        tpu.enqueue_dma source(%dma_start3A_223 : memref<16xf32, #tpu.memory_space<vmem>>) target(%dma_start3A_221 : memref<16xf32, #tpu.memory_space<vmem_shared>>) target_semaphore(%run_scoped3A_215 : memref<!tpu.dma_semaphore, #tpu.memory_space<semaphore_mem>>)
        %dma_wait3A_224 = arith.constant 0 : i32
        %dma_wait3A_225 = tpu.memref_slice %arg14[%dma_wait3A_224] : memref<624xf32, #tpu.memory_space<vmem>> -> memref<16xf32, #tpu.memory_space<vmem>>
        %dma_wait3A_226 = arith.constant 9984 : i32
        %dma_wait3A_227 = tpu.memref_slice %arg17[%dma_wait3A_226] : memref<10000xf32, #tpu.memory_space<vmem_shared>> -> memref<16xf32, #tpu.memory_space<vmem_shared>>
        %dma_wait3A_228 = arith.constant 9984 : i32
        %dma_wait3A_229 = tpu.memref_slice %arg17[%dma_wait3A_228] : memref<10000xf32, #tpu.memory_space<vmem_shared>> -> memref<16xf32, #tpu.memory_space<vmem_shared>>
        %dma_wait3A_230 = arith.constant 0 : i32
        %dma_wait3A_231 = tpu.memref_slice %arg14[%dma_wait3A_230] : memref<624xf32, #tpu.memory_space<vmem>> -> memref<16xf32, #tpu.memory_space<vmem>>
        tpu.wait_dma2 semaphore(%run_scoped3A_215 : memref<!tpu.dma_semaphore, #tpu.memory_space<semaphore_mem>>) src(%dma_wait3A_231 : memref<16xf32, #tpu.memory_space<vmem>>) dst(%dma_wait3A_229 : memref<16xf32, #tpu.memory_space<vmem_shared>>)
        tpu.yield
      }) : () -> ()
    } else {
    }
    %broadcast_in_dim3A = arith.constant 1.000000e+00 : f32
    %broadcast_in_dim3A_152 = vector.broadcast %broadcast_in_dim3A : f32 to vector<16xf32>
    %swap3A = arith.constant 0 : index
    %swap3A_153 = tpu.vector_load %arg13[%swap3A] {strides = array<i32>} : memref<64xf32, #tpu.memory_space<vmem>>, vector<16xf32>,
    %swap3A_154 = vector.shape_cast %swap3A_153 : vector<16xf32> to vector<16xf32>
    %swap3A_155 = vector.shape_cast %broadcast_in_dim3A_152 : vector<16xf32> to vector<16xf32>
    tpu.vector_store %arg13[%swap3A], %swap3A_155 {strides = array<i32>} : memref<64xf32, #tpu.memory_space<vmem>>, vector<16xf32>,
    %broadcast_in_dim3A_156 = arith.constant 1.000000e+00 : f32
    %broadcast_in_dim3A_157 = vector.broadcast %broadcast_in_dim3A_156 : f32 to vector<16xf32>
    %swap3A_158 = arith.constant 16 : index
    %swap3A_159 = tpu.vector_load %arg13[%swap3A_158] {strides = array<i32>} : memref<64xf32, #tpu.memory_space<vmem>>, vector<16xf32>,
    %swap3A_160 = vector.shape_cast %swap3A_159 : vector<16xf32> to vector<16xf32>
    %swap3A_161 = vector.shape_cast %broadcast_in_dim3A_157 : vector<16xf32> to vector<16xf32>
    tpu.vector_store %arg13[%swap3A_158], %swap3A_161 {strides = array<i32>} : memref<64xf32, #tpu.memory_space<vmem>>, vector<16xf32>,
    %broadcast_in_dim3A_162 = arith.constant 1.000000e+00 : f32
    %broadcast_in_dim3A_163 = vector.broadcast %broadcast_in_dim3A_162 : f32 to vector<16xf32>
    %swap3A_164 = arith.constant 32 : index
    %swap3A_165 = tpu.vector_load %arg13[%swap3A_164] {strides = array<i32>} : memref<64xf32, #tpu.memory_space<vmem>>, vector<16xf32>,
    %swap3A_166 = vector.shape_cast %swap3A_165 : vector<16xf32> to vector<16xf32>
    %swap3A_167 = vector.shape_cast %broadcast_in_dim3A_163 : vector<16xf32> to vector<16xf32>
    tpu.vector_store %arg13[%swap3A_164], %swap3A_167 {strides = array<i32>} : memref<64xf32, #tpu.memory_space<vmem>>, vector<16xf32>,
    %broadcast_in_dim3A_168 = arith.constant 1.000000e+00 : f32
    %broadcast_in_dim3A_169 = vector.broadcast %broadcast_in_dim3A_168 : f32 to vector<16xf32>
    %swap3A_170 = arith.constant 48 : index
    %swap3A_171 = tpu.vector_load %arg13[%swap3A_170] {strides = array<i32>} : memref<64xf32, #tpu.memory_space<vmem>>, vector<16xf32>,
    %swap3A_172 = vector.shape_cast %swap3A_171 : vector<16xf32> to vector<16xf32>
    %swap3A_173 = vector.shape_cast %broadcast_in_dim3A_169 : vector<16xf32> to vector<16xf32>
    tpu.vector_store %arg13[%swap3A_170], %swap3A_173 {strides = array<i32>} : memref<64xf32, #tpu.memory_space<vmem>>, vector<16xf32>,
    %barrier3A = arith.constant 0 : index
    tpu.barrier barrier_id(%barrier3A)
    %scan3A_174 = arith.constant 0 : i32
    %scan3A_175 = arith.constant 0 : i32
    %scan3A_176 = arith.constant 39 : i32
    %scan3A_177 = arith.addi %scan3A_175, %scan3A_176 : i32
    %scan3A_178 = arith.constant 1 : i32
    scf.for %scan3A_215 = %scan3A_175 to %scan3A_177 step %scan3A_178  : i32 {
      %mul3A_216 = arith.constant 4 : i32
      %mul3A_217 = arith.muli %scan3A_215, %mul3A_216 : i32
      %add3A_218 = arith.constant 0 : i32
      %add3A_219 = arith.addi %mul3A_217, %add3A_218 : i32
      %dma_wait3A_220 = arith.constant 0 : i32
      %dma_wait3A_221 = tpu.memref_slice %arg6[%dma_wait3A_220] : memref<10000xi32, #tpu.memory_space<vmem>> -> memref<64xi32, #tpu.memory_space<vmem>>
      %dma_wait3A_222 = arith.constant 0 : i32
      %dma_wait3A_223 = arith.constant 0 : i32
      %dma_wait3A_224 = tpu.memref_slice %arg2[%dma_wait3A_222, %dma_wait3A_223] : memref<10000x128xf32, #tpu.memory_space<hbm>> -> memref<10000x128xf32, #tpu.memory_space<hbm>>
      tpu.wait_indirect_dma semaphore(%arg18 : memref<!tpu.dma_semaphore, #tpu.memory_space<semaphore_mem>>) src(%dma_wait3A_224 : memref<10000x128xf32, #tpu.memory_space<hbm>>) dst(%arg9 : memref<64x128xf32, #tpu.memory_space<vmem>>)
      %dma_wait3A_225 = arith.constant 0 : i32
      %dma_wait3A_226 = arith.constant 0 : i32
      %dma_wait3A_227 = tpu.memref_slice %arg7[%dma_wait3A_225, %dma_wait3A_226] : memref<4x64xi32, #tpu.memory_space<vmem>> -> memref<1x64xi32, #tpu.memory_space<vmem>>
      %dma_wait3A_228 = tpu.memref_squeeze %dma_wait3A_227 : memref<1x64xi32, #tpu.memory_space<vmem>> -> memref<64xi32, #tpu.memory_space<vmem>>
      %dma_wait3A_229 = tpu.memref_slice %arg3[%multiple_of3A] : memref<640000xi32, #tpu.memory_space<hbm>> -> memref<64xi32, #tpu.memory_space<hbm>>
      %dma_wait3A_230 = arith.constant 0 : i32
      %dma_wait3A_231 = tpu.memref_slice %arg7[%dma_wait3A_225, %dma_wait3A_230] : memref<4x64xi32, #tpu.memory_space<vmem>> -> memref<1x64xi32, #tpu.memory_space<vmem>>
      %dma_wait3A_232 = tpu.memref_squeeze %dma_wait3A_231 : memref<1x64xi32, #tpu.memory_space<vmem>> -> memref<64xi32, #tpu.memory_space<vmem>>
      %dma_wait3A_233 = tpu.memref_slice %arg3[%multiple_of3A] : memref<640000xi32, #tpu.memory_space<hbm>> -> memref<64xi32, #tpu.memory_space<hbm>>
      tpu.wait_dma2 semaphore(%arg22 : memref<!tpu.dma_semaphore, #tpu.memory_space<semaphore_mem>>) src(%dma_wait3A_233 : memref<64xi32, #tpu.memory_space<hbm>>) dst(%dma_wait3A_232 : memref<64xi32, #tpu.memory_space<vmem>>)
      %dma_start3A_234 = arith.constant 0 : i32
      %dma_start3A_235 = arith.constant 0 : i32
      %dma_start3A_236 = tpu.memref_slice %arg7[%dma_start3A_234, %dma_start3A_235] : memref<4x64xi32, #tpu.memory_space<vmem>> -> memref<1x64xi32, #tpu.memory_space<vmem>>
      %dma_start3A_237 = tpu.memref_squeeze %dma_start3A_236 : memref<1x64xi32, #tpu.memory_space<vmem>> -> memref<64xi32, #tpu.memory_space<vmem>>
      %dma_start3A_238 = arith.constant 0 : i32
      %dma_start3A_239 = tpu.memref_slice %arg17[%dma_start3A_238] : memref<10000xf32, #tpu.memory_space<vmem_shared>> -> memref<10000xf32, #tpu.memory_space<vmem_shared>>
      tpu.enqueue_indirect_dma source(%arg13 : memref<64xf32, #tpu.memory_space<vmem>>) target(%dma_start3A_239 : memref<10000xf32, #tpu.memory_space<vmem_shared>>) offsets(%dma_start3A_237 : memref<64xi32, #tpu.memory_space<vmem>>) semaphore(%arg26 : memref<!tpu.dma_semaphore, #tpu.memory_space<semaphore_mem>>) {add = true}
      %run_scoped3A_240 = arith.constant 0 : i32
      "tpu.region"() ({
        %run_scoped3A_367 = tpu.sem_alloc : memref<!tpu.dma_semaphore, #tpu.memory_space<semaphore_mem>>
        %dma_start3A_368 = arith.constant 0 : i32
        %dma_start3A_369 = tpu.memref_slice %arg7[%run_scoped3A_240, %dma_start3A_368] : memref<4x64xi32, #tpu.memory_space<vmem>> -> memref<1x64xi32, #tpu.memory_space<vmem>>
        %dma_start3A_370 = tpu.memref_squeeze %dma_start3A_369 : memref<1x64xi32, #tpu.memory_space<vmem>> -> memref<64xi32, #tpu.memory_space<vmem>>
        %dma_start3A_371 = arith.constant 0 : i32
        %dma_start3A_372 = arith.constant 0 : i32
        %dma_start3A_373 = tpu.memref_slice %arg16[%dma_start3A_371, %dma_start3A_372] : memref<10000x128xf32, #tpu.memory_space<vmem_shared>> -> memref<10000x128xf32, #tpu.memory_space<vmem_shared>>
        tpu.enqueue_indirect_dma source(%arg9 : memref<64x128xf32, #tpu.memory_space<vmem>>) target(%dma_start3A_373 : memref<10000x128xf32, #tpu.memory_space<vmem_shared>>) offsets(%dma_start3A_370 : memref<64xi32, #tpu.memory_space<vmem>>) semaphore(%run_scoped3A_367 : memref<!tpu.dma_semaphore, #tpu.memory_space<semaphore_mem>>) {add = true}
        %dma_wait3A_374 = arith.constant 0 : i32
        %dma_wait3A_375 = tpu.memref_slice %arg7[%run_scoped3A_240, %dma_wait3A_374] : memref<4x64xi32, #tpu.memory_space<vmem>> -> memref<1x64xi32, #tpu.memory_space<vmem>>
        %dma_wait3A_376 = tpu.memref_squeeze %dma_wait3A_375 : memref<1x64xi32, #tpu.memory_space<vmem>> -> memref<64xi32, #tpu.memory_space<vmem>>
        %dma_wait3A_377 = arith.constant 0 : i32
        %dma_wait3A_378 = arith.constant 0 : i32
        %dma_wait3A_379 = tpu.memref_slice %arg16[%dma_wait3A_377, %dma_wait3A_378] : memref<10000x128xf32, #tpu.memory_space<vmem_shared>> -> memref<10000x128xf32, #tpu.memory_space<vmem_shared>>
        tpu.wait_indirect_dma semaphore(%run_scoped3A_367 : memref<!tpu.dma_semaphore, #tpu.memory_space<semaphore_mem>>) src(%arg9 : memref<64x128xf32, #tpu.memory_space<vmem>>) dst(%dma_wait3A_379 : memref<10000x128xf32, #tpu.memory_space<vmem_shared>>)
        tpu.yield
      }) : () -> ()
      %dma_wait3A_241 = arith.constant 0 : i32
      %dma_wait3A_242 = arith.constant 0 : i32
      %dma_wait3A_243 = tpu.memref_slice %arg7[%dma_wait3A_241, %dma_wait3A_242] : memref<4x64xi32, #tpu.memory_space<vmem>> -> memref<1x64xi32, #tpu.memory_space<vmem>>
      %dma_wait3A_244 = tpu.memref_squeeze %dma_wait3A_243 : memref<1x64xi32, #tpu.memory_space<vmem>> -> memref<64xi32, #tpu.memory_space<vmem>>
      %dma_wait3A_245 = arith.constant 0 : i32
      %dma_wait3A_246 = tpu.memref_slice %arg17[%dma_wait3A_245] : memref<10000xf32, #tpu.memory_space<vmem_shared>> -> memref<10000xf32, #tpu.memory_space<vmem_shared>>
      tpu.wait_indirect_dma semaphore(%arg26 : memref<!tpu.dma_semaphore, #tpu.memory_space<semaphore_mem>>) src(%arg13 : memref<64xf32, #tpu.memory_space<vmem>>) dst(%dma_wait3A_246 : memref<10000xf32, #tpu.memory_space<vmem_shared>>)
      %add3A_247 = arith.constant 4 : i32
      %add3A_248 = arith.addi %add3A_219, %add3A_247 : i32
      %lt3A = arith.constant 156 : i32
      %lt3A_249 = arith.cmpi slt, %add3A_248, %lt3A : i32
      %convert_element_type3A_250 = arith.extui %lt3A_249 : i1 to i32
      %cond3A_251 = arith.constant 0 : i32
      %cond3A_252 = arith.cmpi ne, %convert_element_type3A_250, %cond3A_251 : i32
      scf.if %cond3A_252 {
        %mul3A_367 = arith.constant 10000 : i32
        %mul3A_368 = arith.muli %add3A, %mul3A_367 : i32
        %mul3A_369 = arith.constant 64 : i32
        %mul3A_370 = arith.muli %add3A_248, %mul3A_369 : i32
        %add3A_371 = arith.addi %mul3A_368, %mul3A_370 : i32
        %multiple_of3A_372 = tpu.assume_multiple %add3A_371, 8 : i32
        %dma_start3A_373 = arith.constant 0 : i32
        %dma_start3A_374 = arith.constant 0 : i32
        %dma_start3A_375 = tpu.memref_slice %arg7[%dma_start3A_373, %dma_start3A_374] : memref<4x64xi32, #tpu.memory_space<vmem>> -> memref<1x64xi32, #tpu.memory_space<vmem>>
        %dma_start3A_376 = tpu.memref_squeeze %dma_start3A_375 : memref<1x64xi32, #tpu.memory_space<vmem>> -> memref<64xi32, #tpu.memory_space<vmem>>
        %dma_start3A_377 = tpu.memref_slice %arg3[%multiple_of3A_372] : memref<640000xi32, #tpu.memory_space<hbm>> -> memref<64xi32, #tpu.memory_space<hbm>>
        %dma_start3A_378 = arith.constant 0 : i32
        %dma_start3A_379 = tpu.memref_slice %arg7[%dma_start3A_373, %dma_start3A_378] : memref<4x64xi32, #tpu.memory_space<vmem>> -> memref<1x64xi32, #tpu.memory_space<vmem>>
        %dma_start3A_380 = tpu.memref_squeeze %dma_start3A_379 : memref<1x64xi32, #tpu.memory_space<vmem>> -> memref<64xi32, #tpu.memory_space<vmem>>
        %dma_start3A_381 = tpu.memref_slice %arg3[%multiple_of3A_372] : memref<640000xi32, #tpu.memory_space<hbm>> -> memref<64xi32, #tpu.memory_space<hbm>>
        tpu.enqueue_dma source(%dma_start3A_381 : memref<64xi32, #tpu.memory_space<hbm>>) target(%dma_start3A_380 : memref<64xi32, #tpu.memory_space<vmem>>) target_semaphore(%arg22 : memref<!tpu.dma_semaphore, #tpu.memory_space<semaphore_mem>>)
        %mul3A_382 = arith.constant 64 : i32
        %mul3A_383 = arith.muli %add3A_248, %mul3A_382 : i32
        %dma_start3A_384 = tpu.memref_slice %arg6[%mul3A_383] : memref<10000xi32, #tpu.memory_space<vmem>> -> memref<64xi32, #tpu.memory_space<vmem>>
        %dma_start3A_385 = arith.constant 0 : i32
        %dma_start3A_386 = arith.constant 0 : i32
        %dma_start3A_387 = tpu.memref_slice %arg2[%dma_start3A_385, %dma_start3A_386] : memref<10000x128xf32, #tpu.memory_space<hbm>> -> memref<10000x128xf32, #tpu.memory_space<hbm>>
        tpu.enqueue_indirect_dma source(%dma_start3A_387 : memref<10000x128xf32, #tpu.memory_space<hbm>>) target(%arg9 : memref<64x128xf32, #tpu.memory_space<vmem>>) offsets(%dma_start3A_384 : memref<64xi32, #tpu.memory_space<vmem>>) semaphore(%arg18 : memref<!tpu.dma_semaphore, #tpu.memory_space<semaphore_mem>>)
      } else {
      }
      %mul3A_253 = arith.constant 4 : i32
      %mul3A_254 = arith.muli %scan3A_215, %mul3A_253 : i32
      %add3A_255 = arith.constant 1 : i32
      %add3A_256 = arith.addi %mul3A_254, %add3A_255 : i32
      %dma_wait3A_257 = arith.constant 0 : i32
      %dma_wait3A_258 = tpu.memref_slice %arg6[%dma_wait3A_257] : memref<10000xi32, #tpu.memory_space<vmem>> -> memref<64xi32, #tpu.memory_space<vmem>>
      %dma_wait3A_259 = arith.constant 0 : i32
      %dma_wait3A_260 = arith.constant 0 : i32
      %dma_wait3A_261 = tpu.memref_slice %arg2[%dma_wait3A_259, %dma_wait3A_260] : memref<10000x128xf32, #tpu.memory_space<hbm>> -> memref<10000x128xf32, #tpu.memory_space<hbm>>
      tpu.wait_indirect_dma semaphore(%arg19 : memref<!tpu.dma_semaphore, #tpu.memory_space<semaphore_mem>>) src(%dma_wait3A_261 : memref<10000x128xf32, #tpu.memory_space<hbm>>) dst(%arg10 : memref<64x128xf32, #tpu.memory_space<vmem>>)
      %dma_wait3A_262 = arith.constant 1 : i32
      %dma_wait3A_263 = arith.constant 0 : i32
      %dma_wait3A_264 = tpu.memref_slice %arg7[%dma_wait3A_262, %dma_wait3A_263] : memref<4x64xi32, #tpu.memory_space<vmem>> -> memref<1x64xi32, #tpu.memory_space<vmem>>
      %dma_wait3A_265 = tpu.memref_squeeze %dma_wait3A_264 : memref<1x64xi32, #tpu.memory_space<vmem>> -> memref<64xi32, #tpu.memory_space<vmem>>
      %dma_wait3A_266 = tpu.memref_slice %arg3[%multiple_of3A] : memref<640000xi32, #tpu.memory_space<hbm>> -> memref<64xi32, #tpu.memory_space<hbm>>
      %dma_wait3A_267 = arith.constant 0 : i32
      %dma_wait3A_268 = tpu.memref_slice %arg7[%dma_wait3A_262, %dma_wait3A_267] : memref<4x64xi32, #tpu.memory_space<vmem>> -> memref<1x64xi32, #tpu.memory_space<vmem>>
      %dma_wait3A_269 = tpu.memref_squeeze %dma_wait3A_268 : memref<1x64xi32, #tpu.memory_space<vmem>> -> memref<64xi32, #tpu.memory_space<vmem>>
      %dma_wait3A_270 = tpu.memref_slice %arg3[%multiple_of3A] : memref<640000xi32, #tpu.memory_space<hbm>> -> memref<64xi32, #tpu.memory_space<hbm>>
      tpu.wait_dma2 semaphore(%arg23 : memref<!tpu.dma_semaphore, #tpu.memory_space<semaphore_mem>>) src(%dma_wait3A_270 : memref<64xi32, #tpu.memory_space<hbm>>) dst(%dma_wait3A_269 : memref<64xi32, #tpu.memory_space<vmem>>)
      %dma_start3A_271 = arith.constant 1 : i32
      %dma_start3A_272 = arith.constant 0 : i32
      %dma_start3A_273 = tpu.memref_slice %arg7[%dma_start3A_271, %dma_start3A_272] : memref<4x64xi32, #tpu.memory_space<vmem>> -> memref<1x64xi32, #tpu.memory_space<vmem>>
      %dma_start3A_274 = tpu.memref_squeeze %dma_start3A_273 : memref<1x64xi32, #tpu.memory_space<vmem>> -> memref<64xi32, #tpu.memory_space<vmem>>
      %dma_start3A_275 = arith.constant 0 : i32
      %dma_start3A_276 = tpu.memref_slice %arg17[%dma_start3A_275] : memref<10000xf32, #tpu.memory_space<vmem_shared>> -> memref<10000xf32, #tpu.memory_space<vmem_shared>>
      tpu.enqueue_indirect_dma source(%arg13 : memref<64xf32, #tpu.memory_space<vmem>>) target(%dma_start3A_276 : memref<10000xf32, #tpu.memory_space<vmem_shared>>) offsets(%dma_start3A_274 : memref<64xi32, #tpu.memory_space<vmem>>) semaphore(%arg27 : memref<!tpu.dma_semaphore, #tpu.memory_space<semaphore_mem>>) {add = true}
      %run_scoped3A_277 = arith.constant 1 : i32
      "tpu.region"() ({
        %run_scoped3A_367 = tpu.sem_alloc : memref<!tpu.dma_semaphore, #tpu.memory_space<semaphore_mem>>
        %dma_start3A_368 = arith.constant 0 : i32
        %dma_start3A_369 = tpu.memref_slice %arg7[%run_scoped3A_277, %dma_start3A_368] : memref<4x64xi32, #tpu.memory_space<vmem>> -> memref<1x64xi32, #tpu.memory_space<vmem>>
        %dma_start3A_370 = tpu.memref_squeeze %dma_start3A_369 : memref<1x64xi32, #tpu.memory_space<vmem>> -> memref<64xi32, #tpu.memory_space<vmem>>
        %dma_start3A_371 = arith.constant 0 : i32
        %dma_start3A_372 = arith.constant 0 : i32
        %dma_start3A_373 = tpu.memref_slice %arg16[%dma_start3A_371, %dma_start3A_372] : memref<10000x128xf32, #tpu.memory_space<vmem_shared>> -> memref<10000x128xf32, #tpu.memory_space<vmem_shared>>
        tpu.enqueue_indirect_dma source(%arg10 : memref<64x128xf32, #tpu.memory_space<vmem>>) target(%dma_start3A_373 : memref<10000x128xf32, #tpu.memory_space<vmem_shared>>) offsets(%dma_start3A_370 : memref<64xi32, #tpu.memory_space<vmem>>) semaphore(%run_scoped3A_367 : memref<!tpu.dma_semaphore, #tpu.memory_space<semaphore_mem>>) {add = true}
        %dma_wait3A_374 = arith.constant 0 : i32
        %dma_wait3A_375 = tpu.memref_slice %arg7[%run_scoped3A_277, %dma_wait3A_374] : memref<4x64xi32, #tpu.memory_space<vmem>> -> memref<1x64xi32, #tpu.memory_space<vmem>>
        %dma_wait3A_376 = tpu.memref_squeeze %dma_wait3A_375 : memref<1x64xi32, #tpu.memory_space<vmem>> -> memref<64xi32, #tpu.memory_space<vmem>>
        %dma_wait3A_377 = arith.constant 0 : i32
        %dma_wait3A_378 = arith.constant 0 : i32
        %dma_wait3A_379 = tpu.memref_slice %arg16[%dma_wait3A_377, %dma_wait3A_378] : memref<10000x128xf32, #tpu.memory_space<vmem_shared>> -> memref<10000x128xf32, #tpu.memory_space<vmem_shared>>
        tpu.wait_indirect_dma semaphore(%run_scoped3A_367 : memref<!tpu.dma_semaphore, #tpu.memory_space<semaphore_mem>>) src(%arg10 : memref<64x128xf32, #tpu.memory_space<vmem>>) dst(%dma_wait3A_379 : memref<10000x128xf32, #tpu.memory_space<vmem_shared>>)
        tpu.yield
      }) : () -> ()
      %dma_wait3A_278 = arith.constant 1 : i32
      %dma_wait3A_279 = arith.constant 0 : i32
      %dma_wait3A_280 = tpu.memref_slice %arg7[%dma_wait3A_278, %dma_wait3A_279] : memref<4x64xi32, #tpu.memory_space<vmem>> -> memref<1x64xi32, #tpu.memory_space<vmem>>
      %dma_wait3A_281 = tpu.memref_squeeze %dma_wait3A_280 : memref<1x64xi32, #tpu.memory_space<vmem>> -> memref<64xi32, #tpu.memory_space<vmem>>
      %dma_wait3A_282 = arith.constant 0 : i32
      %dma_wait3A_283 = tpu.memref_slice %arg17[%dma_wait3A_282] : memref<10000xf32, #tpu.memory_space<vmem_shared>> -> memref<10000xf32, #tpu.memory_space<vmem_shared>>
      tpu.wait_indirect_dma semaphore(%arg27 : memref<!tpu.dma_semaphore, #tpu.memory_space<semaphore_mem>>) src(%arg13 : memref<64xf32, #tpu.memory_space<vmem>>) dst(%dma_wait3A_283 : memref<10000xf32, #tpu.memory_space<vmem_shared>>)
      %add3A_284 = arith.constant 4 : i32
      %add3A_285 = arith.addi %add3A_256, %add3A_284 : i32
      %lt3A_286 = arith.constant 156 : i32
      %lt3A_287 = arith.cmpi slt, %add3A_285, %lt3A_286 : i32
      %convert_element_type3A_288 = arith.extui %lt3A_287 : i1 to i32
      %cond3A_289 = arith.constant 0 : i32
      %cond3A_290 = arith.cmpi ne, %convert_element_type3A_288, %cond3A_289 : i32
      scf.if %cond3A_290 {
        %mul3A_367 = arith.constant 10000 : i32
        %mul3A_368 = arith.muli %add3A, %mul3A_367 : i32
        %mul3A_369 = arith.constant 64 : i32
        %mul3A_370 = arith.muli %add3A_285, %mul3A_369 : i32
        %add3A_371 = arith.addi %mul3A_368, %mul3A_370 : i32
        %multiple_of3A_372 = tpu.assume_multiple %add3A_371, 8 : i32
        %dma_start3A_373 = arith.constant 1 : i32
        %dma_start3A_374 = arith.constant 0 : i32
        %dma_start3A_375 = tpu.memref_slice %arg7[%dma_start3A_373, %dma_start3A_374] : memref<4x64xi32, #tpu.memory_space<vmem>> -> memref<1x64xi32, #tpu.memory_space<vmem>>
        %dma_start3A_376 = tpu.memref_squeeze %dma_start3A_375 : memref<1x64xi32, #tpu.memory_space<vmem>> -> memref<64xi32, #tpu.memory_space<vmem>>
        %dma_start3A_377 = tpu.memref_slice %arg3[%multiple_of3A_372] : memref<640000xi32, #tpu.memory_space<hbm>> -> memref<64xi32, #tpu.memory_space<hbm>>
        %dma_start3A_378 = arith.constant 0 : i32
        %dma_start3A_379 = tpu.memref_slice %arg7[%dma_start3A_373, %dma_start3A_378] : memref<4x64xi32, #tpu.memory_space<vmem>> -> memref<1x64xi32, #tpu.memory_space<vmem>>
        %dma_start3A_380 = tpu.memref_squeeze %dma_start3A_379 : memref<1x64xi32, #tpu.memory_space<vmem>> -> memref<64xi32, #tpu.memory_space<vmem>>
        %dma_start3A_381 = tpu.memref_slice %arg3[%multiple_of3A_372] : memref<640000xi32, #tpu.memory_space<hbm>> -> memref<64xi32, #tpu.memory_space<hbm>>
        tpu.enqueue_dma source(%dma_start3A_381 : memref<64xi32, #tpu.memory_space<hbm>>) target(%dma_start3A_380 : memref<64xi32, #tpu.memory_space<vmem>>) target_semaphore(%arg23 : memref<!tpu.dma_semaphore, #tpu.memory_space<semaphore_mem>>)
        %mul3A_382 = arith.constant 64 : i32
        %mul3A_383 = arith.muli %add3A_285, %mul3A_382 : i32
        %dma_start3A_384 = tpu.memref_slice %arg6[%mul3A_383] : memref<10000xi32, #tpu.memory_space<vmem>> -> memref<64xi32, #tpu.memory_space<vmem>>
        %dma_start3A_385 = arith.constant 0 : i32
        %dma_start3A_386 = arith.constant 0 : i32
        %dma_start3A_387 = tpu.memref_slice %arg2[%dma_start3A_385, %dma_start3A_386] : memref<10000x128xf32, #tpu.memory_space<hbm>> -> memref<10000x128xf32, #tpu.memory_space<hbm>>
        tpu.enqueue_indirect_dma source(%dma_start3A_387 : memref<10000x128xf32, #tpu.memory_space<hbm>>) target(%arg10 : memref<64x128xf32, #tpu.memory_space<vmem>>) offsets(%dma_start3A_384 : memref<64xi32, #tpu.memory_space<vmem>>) semaphore(%arg19 : memref<!tpu.dma_semaphore, #tpu.memory_space<semaphore_mem>>)
      } else {
      }
      %mul3A_291 = arith.constant 4 : i32
      %mul3A_292 = arith.muli %scan3A_215, %mul3A_291 : i32
      %add3A_293 = arith.constant 2 : i32
      %add3A_294 = arith.addi %mul3A_292, %add3A_293 : i32
      %dma_wait3A_295 = arith.constant 0 : i32
      %dma_wait3A_296 = tpu.memref_slice %arg6[%dma_wait3A_295] : memref<10000xi32, #tpu.memory_space<vmem>> -> memref<64xi32, #tpu.memory_space<vmem>>
      %dma_wait3A_297 = arith.constant 0 : i32
      %dma_wait3A_298 = arith.constant 0 : i32
      %dma_wait3A_299 = tpu.memref_slice %arg2[%dma_wait3A_297, %dma_wait3A_298] : memref<10000x128xf32, #tpu.memory_space<hbm>> -> memref<10000x128xf32, #tpu.memory_space<hbm>>
      tpu.wait_indirect_dma semaphore(%arg20 : memref<!tpu.dma_semaphore, #tpu.memory_space<semaphore_mem>>) src(%dma_wait3A_299 : memref<10000x128xf32, #tpu.memory_space<hbm>>) dst(%arg11 : memref<64x128xf32, #tpu.memory_space<vmem>>)
      %dma_wait3A_300 = arith.constant 2 : i32
      %dma_wait3A_301 = arith.constant 0 : i32
      %dma_wait3A_302 = tpu.memref_slice %arg7[%dma_wait3A_300, %dma_wait3A_301] : memref<4x64xi32, #tpu.memory_space<vmem>> -> memref<1x64xi32, #tpu.memory_space<vmem>>
      %dma_wait3A_303 = tpu.memref_squeeze %dma_wait3A_302 : memref<1x64xi32, #tpu.memory_space<vmem>> -> memref<64xi32, #tpu.memory_space<vmem>>
      %dma_wait3A_304 = tpu.memref_slice %arg3[%multiple_of3A] : memref<640000xi32, #tpu.memory_space<hbm>> -> memref<64xi32, #tpu.memory_space<hbm>>
      %dma_wait3A_305 = arith.constant 0 : i32
      %dma_wait3A_306 = tpu.memref_slice %arg7[%dma_wait3A_300, %dma_wait3A_305] : memref<4x64xi32, #tpu.memory_space<vmem>> -> memref<1x64xi32, #tpu.memory_space<vmem>>
      %dma_wait3A_307 = tpu.memref_squeeze %dma_wait3A_306 : memref<1x64xi32, #tpu.memory_space<vmem>> -> memref<64xi32, #tpu.memory_space<vmem>>
      %dma_wait3A_308 = tpu.memref_slice %arg3[%multiple_of3A] : memref<640000xi32, #tpu.memory_space<hbm>> -> memref<64xi32, #tpu.memory_space<hbm>>
      tpu.wait_dma2 semaphore(%arg24 : memref<!tpu.dma_semaphore, #tpu.memory_space<semaphore_mem>>) src(%dma_wait3A_308 : memref<64xi32, #tpu.memory_space<hbm>>) dst(%dma_wait3A_307 : memref<64xi32, #tpu.memory_space<vmem>>)
      %dma_start3A_309 = arith.constant 2 : i32
      %dma_start3A_310 = arith.constant 0 : i32
      %dma_start3A_311 = tpu.memref_slice %arg7[%dma_start3A_309, %dma_start3A_310] : memref<4x64xi32, #tpu.memory_space<vmem>> -> memref<1x64xi32, #tpu.memory_space<vmem>>
      %dma_start3A_312 = tpu.memref_squeeze %dma_start3A_311 : memref<1x64xi32, #tpu.memory_space<vmem>> -> memref<64xi32, #tpu.memory_space<vmem>>
      %dma_start3A_313 = arith.constant 0 : i32
      %dma_start3A_314 = tpu.memref_slice %arg17[%dma_start3A_313] : memref<10000xf32, #tpu.memory_space<vmem_shared>> -> memref<10000xf32, #tpu.memory_space<vmem_shared>>
      tpu.enqueue_indirect_dma source(%arg13 : memref<64xf32, #tpu.memory_space<vmem>>) target(%dma_start3A_314 : memref<10000xf32, #tpu.memory_space<vmem_shared>>) offsets(%dma_start3A_312 : memref<64xi32, #tpu.memory_space<vmem>>) semaphore(%arg28 : memref<!tpu.dma_semaphore, #tpu.memory_space<semaphore_mem>>) {add = true}
      %run_scoped3A_315 = arith.constant 2 : i32
      "tpu.region"() ({
        %run_scoped3A_367 = tpu.sem_alloc : memref<!tpu.dma_semaphore, #tpu.memory_space<semaphore_mem>>
        %dma_start3A_368 = arith.constant 0 : i32
        %dma_start3A_369 = tpu.memref_slice %arg7[%run_scoped3A_315, %dma_start3A_368] : memref<4x64xi32, #tpu.memory_space<vmem>> -> memref<1x64xi32, #tpu.memory_space<vmem>>
        %dma_start3A_370 = tpu.memref_squeeze %dma_start3A_369 : memref<1x64xi32, #tpu.memory_space<vmem>> -> memref<64xi32, #tpu.memory_space<vmem>>
        %dma_start3A_371 = arith.constant 0 : i32
        %dma_start3A_372 = arith.constant 0 : i32
        %dma_start3A_373 = tpu.memref_slice %arg16[%dma_start3A_371, %dma_start3A_372] : memref<10000x128xf32, #tpu.memory_space<vmem_shared>> -> memref<10000x128xf32, #tpu.memory_space<vmem_shared>>
        tpu.enqueue_indirect_dma source(%arg11 : memref<64x128xf32, #tpu.memory_space<vmem>>) target(%dma_start3A_373 : memref<10000x128xf32, #tpu.memory_space<vmem_shared>>) offsets(%dma_start3A_370 : memref<64xi32, #tpu.memory_space<vmem>>) semaphore(%run_scoped3A_367 : memref<!tpu.dma_semaphore, #tpu.memory_space<semaphore_mem>>) {add = true}
        %dma_wait3A_374 = arith.constant 0 : i32
        %dma_wait3A_375 = tpu.memref_slice %arg7[%run_scoped3A_315, %dma_wait3A_374] : memref<4x64xi32, #tpu.memory_space<vmem>> -> memref<1x64xi32, #tpu.memory_space<vmem>>
        %dma_wait3A_376 = tpu.memref_squeeze %dma_wait3A_375 : memref<1x64xi32, #tpu.memory_space<vmem>> -> memref<64xi32, #tpu.memory_space<vmem>>
        %dma_wait3A_377 = arith.constant 0 : i32
        %dma_wait3A_378 = arith.constant 0 : i32
        %dma_wait3A_379 = tpu.memref_slice %arg16[%dma_wait3A_377, %dma_wait3A_378] : memref<10000x128xf32, #tpu.memory_space<vmem_shared>> -> memref<10000x128xf32, #tpu.memory_space<vmem_shared>>
        tpu.wait_indirect_dma semaphore(%run_scoped3A_367 : memref<!tpu.dma_semaphore, #tpu.memory_space<semaphore_mem>>) src(%arg11 : memref<64x128xf32, #tpu.memory_space<vmem>>) dst(%dma_wait3A_379 : memref<10000x128xf32, #tpu.memory_space<vmem_shared>>)
        tpu.yield
      }) : () -> ()
      %dma_wait3A_316 = arith.constant 2 : i32
      %dma_wait3A_317 = arith.constant 0 : i32
      %dma_wait3A_318 = tpu.memref_slice %arg7[%dma_wait3A_316, %dma_wait3A_317] : memref<4x64xi32, #tpu.memory_space<vmem>> -> memref<1x64xi32, #tpu.memory_space<vmem>>
      %dma_wait3A_319 = tpu.memref_squeeze %dma_wait3A_318 : memref<1x64xi32, #tpu.memory_space<vmem>> -> memref<64xi32, #tpu.memory_space<vmem>>
      %dma_wait3A_320 = arith.constant 0 : i32
      %dma_wait3A_321 = tpu.memref_slice %arg17[%dma_wait3A_320] : memref<10000xf32, #tpu.memory_space<vmem_shared>> -> memref<10000xf32, #tpu.memory_space<vmem_shared>>
      tpu.wait_indirect_dma semaphore(%arg28 : memref<!tpu.dma_semaphore, #tpu.memory_space<semaphore_mem>>) src(%arg13 : memref<64xf32, #tpu.memory_space<vmem>>) dst(%dma_wait3A_321 : memref<10000xf32, #tpu.memory_space<vmem_shared>>)
      %add3A_322 = arith.constant 4 : i32
      %add3A_323 = arith.addi %add3A_294, %add3A_322 : i32
      %lt3A_324 = arith.constant 156 : i32
      %lt3A_325 = arith.cmpi slt, %add3A_323, %lt3A_324 : i32
      %convert_element_type3A_326 = arith.extui %lt3A_325 : i1 to i32
      %cond3A_327 = arith.constant 0 : i32
      %cond3A_328 = arith.cmpi ne, %convert_element_type3A_326, %cond3A_327 : i32
      scf.if %cond3A_328 {
        %mul3A_367 = arith.constant 10000 : i32
        %mul3A_368 = arith.muli %add3A, %mul3A_367 : i32
        %mul3A_369 = arith.constant 64 : i32
        %mul3A_370 = arith.muli %add3A_323, %mul3A_369 : i32
        %add3A_371 = arith.addi %mul3A_368, %mul3A_370 : i32
        %multiple_of3A_372 = tpu.assume_multiple %add3A_371, 8 : i32
        %dma_start3A_373 = arith.constant 2 : i32
        %dma_start3A_374 = arith.constant 0 : i32
        %dma_start3A_375 = tpu.memref_slice %arg7[%dma_start3A_373, %dma_start3A_374] : memref<4x64xi32, #tpu.memory_space<vmem>> -> memref<1x64xi32, #tpu.memory_space<vmem>>
        %dma_start3A_376 = tpu.memref_squeeze %dma_start3A_375 : memref<1x64xi32, #tpu.memory_space<vmem>> -> memref<64xi32, #tpu.memory_space<vmem>>
        %dma_start3A_377 = tpu.memref_slice %arg3[%multiple_of3A_372] : memref<640000xi32, #tpu.memory_space<hbm>> -> memref<64xi32, #tpu.memory_space<hbm>>
        %dma_start3A_378 = arith.constant 0 : i32
        %dma_start3A_379 = tpu.memref_slice %arg7[%dma_start3A_373, %dma_start3A_378] : memref<4x64xi32, #tpu.memory_space<vmem>> -> memref<1x64xi32, #tpu.memory_space<vmem>>
        %dma_start3A_380 = tpu.memref_squeeze %dma_start3A_379 : memref<1x64xi32, #tpu.memory_space<vmem>> -> memref<64xi32, #tpu.memory_space<vmem>>
        %dma_start3A_381 = tpu.memref_slice %arg3[%multiple_of3A_372] : memref<640000xi32, #tpu.memory_space<hbm>> -> memref<64xi32, #tpu.memory_space<hbm>>
        tpu.enqueue_dma source(%dma_start3A_381 : memref<64xi32, #tpu.memory_space<hbm>>) target(%dma_start3A_380 : memref<64xi32, #tpu.memory_space<vmem>>) target_semaphore(%arg24 : memref<!tpu.dma_semaphore, #tpu.memory_space<semaphore_mem>>)
        %mul3A_382 = arith.constant 64 : i32
        %mul3A_383 = arith.muli %add3A_323, %mul3A_382 : i32
        %dma_start3A_384 = tpu.memref_slice %arg6[%mul3A_383] : memref<10000xi32, #tpu.memory_space<vmem>> -> memref<64xi32, #tpu.memory_space<vmem>>
        %dma_start3A_385 = arith.constant 0 : i32
        %dma_start3A_386 = arith.constant 0 : i32
        %dma_start3A_387 = tpu.memref_slice %arg2[%dma_start3A_385, %dma_start3A_386] : memref<10000x128xf32, #tpu.memory_space<hbm>> -> memref<10000x128xf32, #tpu.memory_space<hbm>>
        tpu.enqueue_indirect_dma source(%dma_start3A_387 : memref<10000x128xf32, #tpu.memory_space<hbm>>) target(%arg11 : memref<64x128xf32, #tpu.memory_space<vmem>>) offsets(%dma_start3A_384 : memref<64xi32, #tpu.memory_space<vmem>>) semaphore(%arg20 : memref<!tpu.dma_semaphore, #tpu.memory_space<semaphore_mem>>)
      } else {
      }
      %mul3A_329 = arith.constant 4 : i32
      %mul3A_330 = arith.muli %scan3A_215, %mul3A_329 : i32
      %add3A_331 = arith.constant 3 : i32
      %add3A_332 = arith.addi %mul3A_330, %add3A_331 : i32
      %dma_wait3A_333 = arith.constant 0 : i32
      %dma_wait3A_334 = tpu.memref_slice %arg6[%dma_wait3A_333] : memref<10000xi32, #tpu.memory_space<vmem>> -> memref<64xi32, #tpu.memory_space<vmem>>
      %dma_wait3A_335 = arith.constant 0 : i32
      %dma_wait3A_336 = arith.constant 0 : i32
      %dma_wait3A_337 = tpu.memref_slice %arg2[%dma_wait3A_335, %dma_wait3A_336] : memref<10000x128xf32, #tpu.memory_space<hbm>> -> memref<10000x128xf32, #tpu.memory_space<hbm>>
      tpu.wait_indirect_dma semaphore(%arg21 : memref<!tpu.dma_semaphore, #tpu.memory_space<semaphore_mem>>) src(%dma_wait3A_337 : memref<10000x128xf32, #tpu.memory_space<hbm>>) dst(%arg12 : memref<64x128xf32, #tpu.memory_space<vmem>>)
      %dma_wait3A_338 = arith.constant 3 : i32
      %dma_wait3A_339 = arith.constant 0 : i32
      %dma_wait3A_340 = tpu.memref_slice %arg7[%dma_wait3A_338, %dma_wait3A_339] : memref<4x64xi32, #tpu.memory_space<vmem>> -> memref<1x64xi32, #tpu.memory_space<vmem>>
      %dma_wait3A_341 = tpu.memref_squeeze %dma_wait3A_340 : memref<1x64xi32, #tpu.memory_space<vmem>> -> memref<64xi32, #tpu.memory_space<vmem>>
      %dma_wait3A_342 = tpu.memref_slice %arg3[%multiple_of3A] : memref<640000xi32, #tpu.memory_space<hbm>> -> memref<64xi32, #tpu.memory_space<hbm>>
      %dma_wait3A_343 = arith.constant 0 : i32
      %dma_wait3A_344 = tpu.memref_slice %arg7[%dma_wait3A_338, %dma_wait3A_343] : memref<4x64xi32, #tpu.memory_space<vmem>> -> memref<1x64xi32, #tpu.memory_space<vmem>>
      %dma_wait3A_345 = tpu.memref_squeeze %dma_wait3A_344 : memref<1x64xi32, #tpu.memory_space<vmem>> -> memref<64xi32, #tpu.memory_space<vmem>>
      %dma_wait3A_346 = tpu.memref_slice %arg3[%multiple_of3A] : memref<640000xi32, #tpu.memory_space<hbm>> -> memref<64xi32, #tpu.memory_space<hbm>>
      tpu.wait_dma2 semaphore(%arg25 : memref<!tpu.dma_semaphore, #tpu.memory_space<semaphore_mem>>) src(%dma_wait3A_346 : memref<64xi32, #tpu.memory_space<hbm>>) dst(%dma_wait3A_345 : memref<64xi32, #tpu.memory_space<vmem>>)
      %dma_start3A_347 = arith.constant 3 : i32
      %dma_start3A_348 = arith.constant 0 : i32
      %dma_start3A_349 = tpu.memref_slice %arg7[%dma_start3A_347, %dma_start3A_348] : memref<4x64xi32, #tpu.memory_space<vmem>> -> memref<1x64xi32, #tpu.memory_space<vmem>>
      %dma_start3A_350 = tpu.memref_squeeze %dma_start3A_349 : memref<1x64xi32, #tpu.memory_space<vmem>> -> memref<64xi32, #tpu.memory_space<vmem>>
      %dma_start3A_351 = arith.constant 0 : i32
      %dma_start3A_352 = tpu.memref_slice %arg17[%dma_start3A_351] : memref<10000xf32, #tpu.memory_space<vmem_shared>> -> memref<10000xf32, #tpu.memory_space<vmem_shared>>
      tpu.enqueue_indirect_dma source(%arg13 : memref<64xf32, #tpu.memory_space<vmem>>) target(%dma_start3A_352 : memref<10000xf32, #tpu.memory_space<vmem_shared>>) offsets(%dma_start3A_350 : memref<64xi32, #tpu.memory_space<vmem>>) semaphore(%arg29 : memref<!tpu.dma_semaphore, #tpu.memory_space<semaphore_mem>>) {add = true}
      %run_scoped3A_353 = arith.constant 3 : i32
      "tpu.region"() ({
        %run_scoped3A_367 = tpu.sem_alloc : memref<!tpu.dma_semaphore, #tpu.memory_space<semaphore_mem>>
        %dma_start3A_368 = arith.constant 0 : i32
        %dma_start3A_369 = tpu.memref_slice %arg7[%run_scoped3A_353, %dma_start3A_368] : memref<4x64xi32, #tpu.memory_space<vmem>> -> memref<1x64xi32, #tpu.memory_space<vmem>>
        %dma_start3A_370 = tpu.memref_squeeze %dma_start3A_369 : memref<1x64xi32, #tpu.memory_space<vmem>> -> memref<64xi32, #tpu.memory_space<vmem>>
        %dma_start3A_371 = arith.constant 0 : i32
        %dma_start3A_372 = arith.constant 0 : i32
        %dma_start3A_373 = tpu.memref_slice %arg16[%dma_start3A_371, %dma_start3A_372] : memref<10000x128xf32, #tpu.memory_space<vmem_shared>> -> memref<10000x128xf32, #tpu.memory_space<vmem_shared>>
        tpu.enqueue_indirect_dma source(%arg12 : memref<64x128xf32, #tpu.memory_space<vmem>>) target(%dma_start3A_373 : memref<10000x128xf32, #tpu.memory_space<vmem_shared>>) offsets(%dma_start3A_370 : memref<64xi32, #tpu.memory_space<vmem>>) semaphore(%run_scoped3A_367 : memref<!tpu.dma_semaphore, #tpu.memory_space<semaphore_mem>>) {add = true}
        %dma_wait3A_374 = arith.constant 0 : i32
        %dma_wait3A_375 = tpu.memref_slice %arg7[%run_scoped3A_353, %dma_wait3A_374] : memref<4x64xi32, #tpu.memory_space<vmem>> -> memref<1x64xi32, #tpu.memory_space<vmem>>
        %dma_wait3A_376 = tpu.memref_squeeze %dma_wait3A_375 : memref<1x64xi32, #tpu.memory_space<vmem>> -> memref<64xi32, #tpu.memory_space<vmem>>
        %dma_wait3A_377 = arith.constant 0 : i32
        %dma_wait3A_378 = arith.constant 0 : i32
        %dma_wait3A_379 = tpu.memref_slice %arg16[%dma_wait3A_377, %dma_wait3A_378] : memref<10000x128xf32, #tpu.memory_space<vmem_shared>> -> memref<10000x128xf32, #tpu.memory_space<vmem_shared>>
        tpu.wait_indirect_dma semaphore(%run_scoped3A_367 : memref<!tpu.dma_semaphore, #tpu.memory_space<semaphore_mem>>) src(%arg12 : memref<64x128xf32, #tpu.memory_space<vmem>>) dst(%dma_wait3A_379 : memref<10000x128xf32, #tpu.memory_space<vmem_shared>>)
        tpu.yield
      }) : () -> ()
      %dma_wait3A_354 = arith.constant 3 : i32
      %dma_wait3A_355 = arith.constant 0 : i32
      %dma_wait3A_356 = tpu.memref_slice %arg7[%dma_wait3A_354, %dma_wait3A_355] : memref<4x64xi32, #tpu.memory_space<vmem>> -> memref<1x64xi32, #tpu.memory_space<vmem>>
      %dma_wait3A_357 = tpu.memref_squeeze %dma_wait3A_356 : memref<1x64xi32, #tpu.memory_space<vmem>> -> memref<64xi32, #tpu.memory_space<vmem>>
      %dma_wait3A_358 = arith.constant 0 : i32
      %dma_wait3A_359 = tpu.memref_slice %arg17[%dma_wait3A_358] : memref<10000xf32, #tpu.memory_space<vmem_shared>> -> memref<10000xf32, #tpu.memory_space<vmem_shared>>
      tpu.wait_indirect_dma semaphore(%arg29 : memref<!tpu.dma_semaphore, #tpu.memory_space<semaphore_mem>>) src(%arg13 : memref<64xf32, #tpu.memory_space<vmem>>) dst(%dma_wait3A_359 : memref<10000xf32, #tpu.memory_space<vmem_shared>>)
      %add3A_360 = arith.constant 4 : i32
      %add3A_361 = arith.addi %add3A_332, %add3A_360 : i32
      %lt3A_362 = arith.constant 156 : i32
      %lt3A_363 = arith.cmpi slt, %add3A_361, %lt3A_362 : i32
      %convert_element_type3A_364 = arith.extui %lt3A_363 : i1 to i32
      %cond3A_365 = arith.constant 0 : i32
      %cond3A_366 = arith.cmpi ne, %convert_element_type3A_364, %cond3A_365 : i32
      scf.if %cond3A_366 {
        %mul3A_367 = arith.constant 10000 : i32
        %mul3A_368 = arith.muli %add3A, %mul3A_367 : i32
        %mul3A_369 = arith.constant 64 : i32
        %mul3A_370 = arith.muli %add3A_361, %mul3A_369 : i32
        %add3A_371 = arith.addi %mul3A_368, %mul3A_370 : i32
        %multiple_of3A_372 = tpu.assume_multiple %add3A_371, 8 : i32
        %dma_start3A_373 = arith.constant 3 : i32
        %dma_start3A_374 = arith.constant 0 : i32
        %dma_start3A_375 = tpu.memref_slice %arg7[%dma_start3A_373, %dma_start3A_374] : memref<4x64xi32, #tpu.memory_space<vmem>> -> memref<1x64xi32, #tpu.memory_space<vmem>>
        %dma_start3A_376 = tpu.memref_squeeze %dma_start3A_375 : memref<1x64xi32, #tpu.memory_space<vmem>> -> memref<64xi32, #tpu.memory_space<vmem>>
        %dma_start3A_377 = tpu.memref_slice %arg3[%multiple_of3A_372] : memref<640000xi32, #tpu.memory_space<hbm>> -> memref<64xi32, #tpu.memory_space<hbm>>
        %dma_start3A_378 = arith.constant 0 : i32
        %dma_start3A_379 = tpu.memref_slice %arg7[%dma_start3A_373, %dma_start3A_378] : memref<4x64xi32, #tpu.memory_space<vmem>> -> memref<1x64xi32, #tpu.memory_space<vmem>>
        %dma_start3A_380 = tpu.memref_squeeze %dma_start3A_379 : memref<1x64xi32, #tpu.memory_space<vmem>> -> memref<64xi32, #tpu.memory_space<vmem>>
        %dma_start3A_381 = tpu.memref_slice %arg3[%multiple_of3A_372] : memref<640000xi32, #tpu.memory_space<hbm>> -> memref<64xi32, #tpu.memory_space<hbm>>
        tpu.enqueue_dma source(%dma_start3A_381 : memref<64xi32, #tpu.memory_space<hbm>>) target(%dma_start3A_380 : memref<64xi32, #tpu.memory_space<vmem>>) target_semaphore(%arg25 : memref<!tpu.dma_semaphore, #tpu.memory_space<semaphore_mem>>)
        %mul3A_382 = arith.constant 64 : i32
        %mul3A_383 = arith.muli %add3A_361, %mul3A_382 : i32
        %dma_start3A_384 = tpu.memref_slice %arg6[%mul3A_383] : memref<10000xi32, #tpu.memory_space<vmem>> -> memref<64xi32, #tpu.memory_space<vmem>>
        %dma_start3A_385 = arith.constant 0 : i32
        %dma_start3A_386 = arith.constant 0 : i32
        %dma_start3A_387 = tpu.memref_slice %arg2[%dma_start3A_385, %dma_start3A_386] : memref<10000x128xf32, #tpu.memory_space<hbm>> -> memref<10000x128xf32, #tpu.memory_space<hbm>>
        tpu.enqueue_indirect_dma source(%dma_start3A_387 : memref<10000x128xf32, #tpu.memory_space<hbm>>) target(%arg12 : memref<64x128xf32, #tpu.memory_space<vmem>>) offsets(%dma_start3A_384 : memref<64xi32, #tpu.memory_space<vmem>>) semaphore(%arg21 : memref<!tpu.dma_semaphore, #tpu.memory_space<semaphore_mem>>)
      } else {
      }
    }
    %scan3A_179 = arith.constant 39 : i32
    %dma_start3A_180 = arith.constant 0 : i32
    %dma_start3A_181 = arith.constant 0 : i32
    %dma_start3A_182 = tpu.memref_slice %arg9[%dma_start3A_180, %dma_start3A_181] : memref<64x128xf32, #tpu.memory_space<vmem>> -> memref<16x128xf32, #tpu.memory_space<vmem>>
    %dma_start3A_183 = arith.constant 9984 : i32
    %dma_start3A_184 = tpu.memref_slice %arg6[%dma_start3A_183] : memref<10000xi32, #tpu.memory_space<vmem>> -> memref<16xi32, #tpu.memory_space<vmem>>
    %dma_start3A_185 = arith.constant 0 : i32
    %dma_start3A_186 = arith.constant 0 : i32
    %dma_start3A_187 = tpu.memref_slice %arg2[%dma_start3A_185, %dma_start3A_186] : memref<10000x128xf32, #tpu.memory_space<hbm>> -> memref<10000x128xf32, #tpu.memory_space<hbm>>
    tpu.enqueue_indirect_dma source(%dma_start3A_187 : memref<10000x128xf32, #tpu.memory_space<hbm>>) target(%dma_start3A_182 : memref<16x128xf32, #tpu.memory_space<vmem>>) offsets(%dma_start3A_184 : memref<16xi32, #tpu.memory_space<vmem>>) semaphore(%arg18 : memref<!tpu.dma_semaphore, #tpu.memory_space<semaphore_mem>>)
    %dma_wait3A = arith.constant 0 : i32
    %dma_wait3A_188 = arith.constant 0 : i32
    %dma_wait3A_189 = tpu.memref_slice %arg9[%dma_wait3A, %dma_wait3A_188] : memref<64x128xf32, #tpu.memory_space<vmem>> -> memref<16x128xf32, #tpu.memory_space<vmem>>
    %dma_wait3A_190 = arith.constant 0 : i32
    %dma_wait3A_191 = tpu.memref_slice %arg6[%dma_wait3A_190] : memref<10000xi32, #tpu.memory_space<vmem>> -> memref<16xi32, #tpu.memory_space<vmem>>
    %dma_wait3A_192 = arith.constant 0 : i32
    %dma_wait3A_193 = arith.constant 0 : i32
    %dma_wait3A_194 = tpu.memref_slice %arg2[%dma_wait3A_192, %dma_wait3A_193] : memref<10000x128xf32, #tpu.memory_space<hbm>> -> memref<10000x128xf32, #tpu.memory_space<hbm>>
    tpu.wait_indirect_dma semaphore(%arg18 : memref<!tpu.dma_semaphore, #tpu.memory_space<semaphore_mem>>) src(%dma_wait3A_194 : memref<10000x128xf32, #tpu.memory_space<hbm>>) dst(%dma_wait3A_189 : memref<16x128xf32, #tpu.memory_space<vmem>>)
    %run_scoped3A_195 = arith.constant 0 : i32
    "tpu.region"() ({
      %run_scoped3A_215 = tpu.sem_alloc : memref<!tpu.dma_semaphore, #tpu.memory_space<semaphore_mem>>
      %dma_start3A_216 = arith.constant 0 : i32
      %dma_start3A_217 = arith.constant 0 : i32
      %dma_start3A_218 = tpu.memref_slice %arg9[%dma_start3A_216, %dma_start3A_217] : memref<64x128xf32, #tpu.memory_space<vmem>> -> memref<16x128xf32, #tpu.memory_space<vmem>>
      %dma_start3A_219 = arith.constant 0 : i32
      %dma_start3A_220 = tpu.memref_slice %arg8[%run_scoped3A_195, %dma_start3A_219] : memref<1x16xi32, #tpu.memory_space<vmem>> -> memref<1x16xi32, #tpu.memory_space<vmem>>
      %dma_start3A_221 = tpu.memref_squeeze %dma_start3A_220 : memref<1x16xi32, #tpu.memory_space<vmem>> -> memref<16xi32, #tpu.memory_space<vmem>>
      %dma_start3A_222 = arith.constant 0 : i32
      %dma_start3A_223 = arith.constant 0 : i32
      %dma_start3A_224 = tpu.memref_slice %arg16[%dma_start3A_222, %dma_start3A_223] : memref<10000x128xf32, #tpu.memory_space<vmem_shared>> -> memref<10000x128xf32, #tpu.memory_space<vmem_shared>>
      tpu.enqueue_indirect_dma source(%dma_start3A_218 : memref<16x128xf32, #tpu.memory_space<vmem>>) target(%dma_start3A_224 : memref<10000x128xf32, #tpu.memory_space<vmem_shared>>) offsets(%dma_start3A_221 : memref<16xi32, #tpu.memory_space<vmem>>) semaphore(%run_scoped3A_215 : memref<!tpu.dma_semaphore, #tpu.memory_space<semaphore_mem>>) {add = true}
      %dma_wait3A_225 = arith.constant 0 : i32
      %dma_wait3A_226 = arith.constant 0 : i32
      %dma_wait3A_227 = tpu.memref_slice %arg9[%dma_wait3A_225, %dma_wait3A_226] : memref<64x128xf32, #tpu.memory_space<vmem>> -> memref<16x128xf32, #tpu.memory_space<vmem>>
      %dma_wait3A_228 = arith.constant 0 : i32
      %dma_wait3A_229 = tpu.memref_slice %arg8[%run_scoped3A_195, %dma_wait3A_228] : memref<1x16xi32, #tpu.memory_space<vmem>> -> memref<1x16xi32, #tpu.memory_space<vmem>>
      %dma_wait3A_230 = tpu.memref_squeeze %dma_wait3A_229 : memref<1x16xi32, #tpu.memory_space<vmem>> -> memref<16xi32, #tpu.memory_space<vmem>>
      %dma_wait3A_231 = arith.constant 0 : i32
      %dma_wait3A_232 = arith.constant 0 : i32
      %dma_wait3A_233 = tpu.memref_slice %arg16[%dma_wait3A_231, %dma_wait3A_232] : memref<10000x128xf32, #tpu.memory_space<vmem_shared>> -> memref<10000x128xf32, #tpu.memory_space<vmem_shared>>
      tpu.wait_indirect_dma semaphore(%run_scoped3A_215 : memref<!tpu.dma_semaphore, #tpu.memory_space<semaphore_mem>>) src(%dma_wait3A_227 : memref<16x128xf32, #tpu.memory_space<vmem>>) dst(%dma_wait3A_233 : memref<10000x128xf32, #tpu.memory_space<vmem_shared>>)
      tpu.yield
    }) : () -> ()
    %run_scoped3A_196 = arith.constant 0 : i32
    "tpu.region"() ({
      %run_scoped3A_215 = tpu.sem_alloc : memref<!tpu.dma_semaphore, #tpu.memory_space<semaphore_mem>>
      %dma_start3A_216 = arith.constant 0 : i32
      %dma_start3A_217 = tpu.memref_slice %arg13[%dma_start3A_216] : memref<64xf32, #tpu.memory_space<vmem>> -> memref<16xf32, #tpu.memory_space<vmem>>
      %dma_start3A_218 = arith.constant 0 : i32
      %dma_start3A_219 = tpu.memref_slice %arg8[%run_scoped3A_196, %dma_start3A_218] : memref<1x16xi32, #tpu.memory_space<vmem>> -> memref<1x16xi32, #tpu.memory_space<vmem>>
      %dma_start3A_220 = tpu.memref_squeeze %dma_start3A_219 : memref<1x16xi32, #tpu.memory_space<vmem>> -> memref<16xi32, #tpu.memory_space<vmem>>
      %dma_start3A_221 = arith.constant 0 : i32
      %dma_start3A_222 = tpu.memref_slice %arg17[%dma_start3A_221] : memref<10000xf32, #tpu.memory_space<vmem_shared>> -> memref<10000xf32, #tpu.memory_space<vmem_shared>>
      tpu.enqueue_indirect_dma source(%dma_start3A_217 : memref<16xf32, #tpu.memory_space<vmem>>) target(%dma_start3A_222 : memref<10000xf32, #tpu.memory_space<vmem_shared>>) offsets(%dma_start3A_220 : memref<16xi32, #tpu.memory_space<vmem>>) semaphore(%run_scoped3A_215 : memref<!tpu.dma_semaphore, #tpu.memory_space<semaphore_mem>>) {add = true}
      %dma_wait3A_223 = arith.constant 0 : i32
      %dma_wait3A_224 = tpu.memref_slice %arg13[%dma_wait3A_223] : memref<64xf32, #tpu.memory_space<vmem>> -> memref<16xf32, #tpu.memory_space<vmem>>
      %dma_wait3A_225 = arith.constant 0 : i32
      %dma_wait3A_226 = tpu.memref_slice %arg8[%run_scoped3A_196, %dma_wait3A_225] : memref<1x16xi32, #tpu.memory_space<vmem>> -> memref<1x16xi32, #tpu.memory_space<vmem>>
      %dma_wait3A_227 = tpu.memref_squeeze %dma_wait3A_226 : memref<1x16xi32, #tpu.memory_space<vmem>> -> memref<16xi32, #tpu.memory_space<vmem>>
      %dma_wait3A_228 = arith.constant 0 : i32
      %dma_wait3A_229 = tpu.memref_slice %arg17[%dma_wait3A_228] : memref<10000xf32, #tpu.memory_space<vmem_shared>> -> memref<10000xf32, #tpu.memory_space<vmem_shared>>
      tpu.wait_indirect_dma semaphore(%run_scoped3A_215 : memref<!tpu.dma_semaphore, #tpu.memory_space<semaphore_mem>>) src(%dma_wait3A_224 : memref<16xf32, #tpu.memory_space<vmem>>) dst(%dma_wait3A_229 : memref<10000xf32, #tpu.memory_space<vmem_shared>>)
      tpu.yield
    }) : () -> ()
    %barrier3A_197 = arith.constant 0 : index
    tpu.barrier barrier_id(%barrier3A_197)
    %mul3A_198 = arith.constant 624 : i32
    %mul3A_199 = arith.muli %arg1, %mul3A_198 : i32
    %mul3A_200 = arith.constant 624 : i32
    %mul3A_201 = arith.muli %arg1, %mul3A_200 : i32
    "tpu.region"() ({
      %run_scoped3A_215 = tpu.sem_alloc : memref<!tpu.dma_semaphore, #tpu.memory_space<semaphore_mem>>
      %dma_start3A_216 = arith.constant 0 : i32
      %dma_start3A_217 = tpu.memref_slice %arg4[%arg0, %mul3A_201, %dma_start3A_216] : memref<2x10000x128xf32, #tpu.memory_space<hbm>> -> memref<1x624x128xf32, #tpu.memory_space<hbm>>
      %dma_start3A_218 = tpu.memref_squeeze %dma_start3A_217 : memref<1x624x128xf32, #tpu.memory_space<hbm>> -> memref<624x128xf32, #tpu.memory_space<hbm>>
      %dma_start3A_219 = arith.constant 0 : i32
      %dma_start3A_220 = tpu.memref_slice %arg16[%mul3A_199, %dma_start3A_219] : memref<10000x128xf32, #tpu.memory_space<vmem_shared>> -> memref<624x128xf32, #tpu.memory_space<vmem_shared>>
      tpu.enqueue_dma source(%dma_start3A_220 : memref<624x128xf32, #tpu.memory_space<vmem_shared>>) target(%dma_start3A_218 : memref<624x128xf32, #tpu.memory_space<hbm>>) target_semaphore(%run_scoped3A_215 : memref<!tpu.dma_semaphore, #tpu.memory_space<semaphore_mem>>)
      %dma_wait3A_221 = arith.constant 0 : i32
      %dma_wait3A_222 = tpu.memref_slice %arg4[%arg0, %mul3A_201, %dma_wait3A_221] : memref<2x10000x128xf32, #tpu.memory_space<hbm>> -> memref<1x624x128xf32, #tpu.memory_space<hbm>>
      %dma_wait3A_223 = tpu.memref_squeeze %dma_wait3A_222 : memref<1x624x128xf32, #tpu.memory_space<hbm>> -> memref<624x128xf32, #tpu.memory_space<hbm>>
      %dma_wait3A_224 = arith.constant 0 : i32
      %dma_wait3A_225 = tpu.memref_slice %arg16[%mul3A_199, %dma_wait3A_224] : memref<10000x128xf32, #tpu.memory_space<vmem_shared>> -> memref<624x128xf32, #tpu.memory_space<vmem_shared>>
      tpu.wait_dma2 semaphore(%run_scoped3A_215 : memref<!tpu.dma_semaphore, #tpu.memory_space<semaphore_mem>>) src(%dma_wait3A_225 : memref<624x128xf32, #tpu.memory_space<vmem_shared>>) dst(%dma_wait3A_223 : memref<624x128xf32, #tpu.memory_space<hbm>>)
      tpu.yield
    }) : () -> ()
    %mul3A_202 = arith.constant 624 : i32
    %mul3A_203 = arith.muli %arg1, %mul3A_202 : i32
    "tpu.region"() ({
      %run_scoped3A_215 = tpu.sem_alloc : memref<!tpu.dma_semaphore, #tpu.memory_space<semaphore_mem>>
      %dma_start3A_216 = tpu.memref_slice %arg17[%mul3A_203] : memref<10000xf32, #tpu.memory_space<vmem_shared>> -> memref<624xf32, #tpu.memory_space<vmem_shared>>
      %dma_start3A_217 = tpu.memref_slice %arg17[%mul3A_203] : memref<10000xf32, #tpu.memory_space<vmem_shared>> -> memref<624xf32, #tpu.memory_space<vmem_shared>>
      tpu.enqueue_dma source(%dma_start3A_217 : memref<624xf32, #tpu.memory_space<vmem_shared>>) target(%arg14 : memref<624xf32, #tpu.memory_space<vmem>>) target_semaphore(%run_scoped3A_215 : memref<!tpu.dma_semaphore, #tpu.memory_space<semaphore_mem>>)
      %dma_wait3A_218 = tpu.memref_slice %arg17[%mul3A_203] : memref<10000xf32, #tpu.memory_space<vmem_shared>> -> memref<624xf32, #tpu.memory_space<vmem_shared>>
      %dma_wait3A_219 = tpu.memref_slice %arg17[%mul3A_203] : memref<10000xf32, #tpu.memory_space<vmem_shared>> -> memref<624xf32, #tpu.memory_space<vmem_shared>>
      tpu.wait_dma2 semaphore(%run_scoped3A_215 : memref<!tpu.dma_semaphore, #tpu.memory_space<semaphore_mem>>) src(%dma_wait3A_219 : memref<624xf32, #tpu.memory_space<vmem_shared>>) dst(%arg14 : memref<624xf32, #tpu.memory_space<vmem>>)
      tpu.yield
    }) : () -> ()
    %mul3A_204 = arith.constant 10000 : i32
    %mul3A_205 = arith.muli %arg0, %mul3A_204 : i32
    %mul3A_206 = arith.constant 624 : i32
    %mul3A_207 = arith.muli %arg1, %mul3A_206 : i32
    %add3A_208 = arith.addi %mul3A_205, %mul3A_207 : i32
    %multiple_of3A_209 = tpu.assume_multiple %add3A_208, 8 : i32
    "tpu.region"() ({
      %run_scoped3A_215 = tpu.sem_alloc : memref<!tpu.dma_semaphore, #tpu.memory_space<semaphore_mem>>
      %dma_start3A_216 = tpu.memref_slice %arg5[%multiple_of3A_209] : memref<20000xf32, #tpu.memory_space<hbm>> -> memref<624xf32, #tpu.memory_space<hbm>>
      %dma_start3A_217 = tpu.memref_slice %arg5[%multiple_of3A_209] : memref<20000xf32, #tpu.memory_space<hbm>> -> memref<624xf32, #tpu.memory_space<hbm>>
      tpu.enqueue_dma source(%arg14 : memref<624xf32, #tpu.memory_space<vmem>>) target(%dma_start3A_217 : memref<624xf32, #tpu.memory_space<hbm>>) target_semaphore(%run_scoped3A_215 : memref<!tpu.dma_semaphore, #tpu.memory_space<semaphore_mem>>)
      %dma_wait3A_218 = tpu.memref_slice %arg5[%multiple_of3A_209] : memref<20000xf32, #tpu.memory_space<hbm>> -> memref<624xf32, #tpu.memory_space<hbm>>
      %dma_wait3A_219 = tpu.memref_slice %arg5[%multiple_of3A_209] : memref<20000xf32, #tpu.memory_space<hbm>> -> memref<624xf32, #tpu.memory_space<hbm>>
      tpu.wait_dma2 semaphore(%run_scoped3A_215 : memref<!tpu.dma_semaphore, #tpu.memory_space<semaphore_mem>>) src(%arg14 : memref<624xf32, #tpu.memory_space<vmem>>) dst(%dma_wait3A_219 : memref<624xf32, #tpu.memory_space<hbm>>)
      tpu.yield
    }) : () -> ()
    %eq3A_210 = arith.constant 0 : i32
    %eq3A_211 = arith.cmpi eq, %arg1, %eq3A_210 : i32
    %convert_element_type3A_212 = arith.extui %eq3A_211 : i1 to i32
    %cond3A_213 = arith.constant 0 : i32
    %cond3A_214 = arith.cmpi ne, %convert_element_type3A_212, %cond3A_213 : i32
    scf.if %cond3A_214 {
      "tpu.region"() ({
        %run_scoped3A_220 = tpu.sem_alloc : memref<!tpu.dma_semaphore, #tpu.memory_space<semaphore_mem>>
        %dma_start3A_221 = arith.constant 9984 : i32
        %dma_start3A_222 = arith.constant 0 : i32
        %dma_start3A_223 = tpu.memref_slice %arg4[%arg0, %dma_start3A_221, %dma_start3A_222] : memref<2x10000x128xf32, #tpu.memory_space<hbm>> -> memref<1x16x128xf32, #tpu.memory_space<hbm>>
        %dma_start3A_224 = tpu.memref_squeeze %dma_start3A_223 : memref<1x16x128xf32, #tpu.memory_space<hbm>> -> memref<16x128xf32, #tpu.memory_space<hbm>>
        %dma_start3A_225 = arith.constant 9984 : i32
        %dma_start3A_226 = arith.constant 0 : i32
        %dma_start3A_227 = tpu.memref_slice %arg16[%dma_start3A_225, %dma_start3A_226] : memref<10000x128xf32, #tpu.memory_space<vmem_shared>> -> memref<16x128xf32, #tpu.memory_space<vmem_shared>>
        tpu.enqueue_dma source(%dma_start3A_227 : memref<16x128xf32, #tpu.memory_space<vmem_shared>>) target(%dma_start3A_224 : memref<16x128xf32, #tpu.memory_space<hbm>>) target_semaphore(%run_scoped3A_220 : memref<!tpu.dma_semaphore, #tpu.memory_space<semaphore_mem>>)
        %dma_wait3A_228 = arith.constant 9984 : i32
        %dma_wait3A_229 = arith.constant 0 : i32
        %dma_wait3A_230 = tpu.memref_slice %arg4[%arg0, %dma_wait3A_228, %dma_wait3A_229] : memref<2x10000x128xf32, #tpu.memory_space<hbm>> -> memref<1x16x128xf32, #tpu.memory_space<hbm>>
        %dma_wait3A_231 = tpu.memref_squeeze %dma_wait3A_230 : memref<1x16x128xf32, #tpu.memory_space<hbm>> -> memref<16x128xf32, #tpu.memory_space<hbm>>
        %dma_wait3A_232 = arith.constant 9984 : i32
        %dma_wait3A_233 = arith.constant 0 : i32
        %dma_wait3A_234 = tpu.memref_slice %arg16[%dma_wait3A_232, %dma_wait3A_233] : memref<10000x128xf32, #tpu.memory_space<vmem_shared>> -> memref<16x128xf32, #tpu.memory_space<vmem_shared>>
        tpu.wait_dma2 semaphore(%run_scoped3A_220 : memref<!tpu.dma_semaphore, #tpu.memory_space<semaphore_mem>>) src(%dma_wait3A_234 : memref<16x128xf32, #tpu.memory_space<vmem_shared>>) dst(%dma_wait3A_231 : memref<16x128xf32, #tpu.memory_space<hbm>>)
        tpu.yield
      }) : () -> ()
      "tpu.region"() ({
        %run_scoped3A_220 = tpu.sem_alloc : memref<!tpu.dma_semaphore, #tpu.memory_space<semaphore_mem>>
        %dma_start3A_221 = arith.constant 0 : i32
        %dma_start3A_222 = tpu.memref_slice %arg14[%dma_start3A_221] : memref<624xf32, #tpu.memory_space<vmem>> -> memref<16xf32, #tpu.memory_space<vmem>>
        %dma_start3A_223 = arith.constant 9984 : i32
        %dma_start3A_224 = tpu.memref_slice %arg17[%dma_start3A_223] : memref<10000xf32, #tpu.memory_space<vmem_shared>> -> memref<16xf32, #tpu.memory_space<vmem_shared>>
        %dma_start3A_225 = arith.constant 0 : i32
        %dma_start3A_226 = tpu.memref_slice %arg14[%dma_start3A_225] : memref<624xf32, #tpu.memory_space<vmem>> -> memref<16xf32, #tpu.memory_space<vmem>>
        %dma_start3A_227 = arith.constant 9984 : i32
        %dma_start3A_228 = tpu.memref_slice %arg17[%dma_start3A_227] : memref<10000xf32, #tpu.memory_space<vmem_shared>> -> memref<16xf32, #tpu.memory_space<vmem_shared>>
        tpu.enqueue_dma source(%dma_start3A_228 : memref<16xf32, #tpu.memory_space<vmem_shared>>) target(%dma_start3A_226 : memref<16xf32, #tpu.memory_space<vmem>>) target_semaphore(%run_scoped3A_220 : memref<!tpu.dma_semaphore, #tpu.memory_space<semaphore_mem>>)
        %dma_wait3A_229 = arith.constant 0 : i32
        %dma_wait3A_230 = tpu.memref_slice %arg14[%dma_wait3A_229] : memref<624xf32, #tpu.memory_space<vmem>> -> memref<16xf32, #tpu.memory_space<vmem>>
        %dma_wait3A_231 = arith.constant 9984 : i32
        %dma_wait3A_232 = tpu.memref_slice %arg17[%dma_wait3A_231] : memref<10000xf32, #tpu.memory_space<vmem_shared>> -> memref<16xf32, #tpu.memory_space<vmem_shared>>
        %dma_wait3A_233 = arith.constant 0 : i32
        %dma_wait3A_234 = tpu.memref_slice %arg14[%dma_wait3A_233] : memref<624xf32, #tpu.memory_space<vmem>> -> memref<16xf32, #tpu.memory_space<vmem>>
        %dma_wait3A_235 = arith.constant 9984 : i32
        %dma_wait3A_236 = tpu.memref_slice %arg17[%dma_wait3A_235] : memref<10000xf32, #tpu.memory_space<vmem_shared>> -> memref<16xf32, #tpu.memory_space<vmem_shared>>
        tpu.wait_dma2 semaphore(%run_scoped3A_220 : memref<!tpu.dma_semaphore, #tpu.memory_space<semaphore_mem>>) src(%dma_wait3A_236 : memref<16xf32, #tpu.memory_space<vmem_shared>>) dst(%dma_wait3A_234 : memref<16xf32, #tpu.memory_space<vmem>>)
        tpu.yield
      }) : () -> ()
      %mul3A_215 = arith.constant 10000 : i32
      %mul3A_216 = arith.muli %arg0, %mul3A_215 : i32
      %add3A_217 = arith.constant 9984 : i32
      %add3A_218 = arith.addi %mul3A_216, %add3A_217 : i32
      %multiple_of3A_219 = tpu.assume_multiple %add3A_218, 8 : i32
      "tpu.region"() ({
        %run_scoped3A_220 = tpu.sem_alloc : memref<!tpu.dma_semaphore, #tpu.memory_space<semaphore_mem>>
        %dma_start3A_221 = arith.constant 0 : i32
        %dma_start3A_222 = tpu.memref_slice %arg14[%dma_start3A_221] : memref<624xf32, #tpu.memory_space<vmem>> -> memref<16xf32, #tpu.memory_space<vmem>>
        %dma_start3A_223 = tpu.memref_slice %arg5[%multiple_of3A_219] : memref<20000xf32, #tpu.memory_space<hbm>> -> memref<16xf32, #tpu.memory_space<hbm>>
        %dma_start3A_224 = tpu.memref_slice %arg5[%multiple_of3A_219] : memref<20000xf32, #tpu.memory_space<hbm>> -> memref<16xf32, #tpu.memory_space<hbm>>
        %dma_start3A_225 = arith.constant 0 : i32
        %dma_start3A_226 = tpu.memref_slice %arg14[%dma_start3A_225] : memref<624xf32, #tpu.memory_space<vmem>> -> memref<16xf32, #tpu.memory_space<vmem>>
        tpu.enqueue_dma source(%dma_start3A_226 : memref<16xf32, #tpu.memory_space<vmem>>) target(%dma_start3A_224 : memref<16xf32, #tpu.memory_space<hbm>>) target_semaphore(%run_scoped3A_220 : memref<!tpu.dma_semaphore, #tpu.memory_space<semaphore_mem>>)
        %dma_wait3A_227 = arith.constant 0 : i32
        %dma_wait3A_228 = tpu.memref_slice %arg14[%dma_wait3A_227] : memref<624xf32, #tpu.memory_space<vmem>> -> memref<16xf32, #tpu.memory_space<vmem>>
        %dma_wait3A_229 = tpu.memref_slice %arg5[%multiple_of3A_219] : memref<20000xf32, #tpu.memory_space<hbm>> -> memref<16xf32, #tpu.memory_space<hbm>>
        %dma_wait3A_230 = tpu.memref_slice %arg5[%multiple_of3A_219] : memref<20000xf32, #tpu.memory_space<hbm>> -> memref<16xf32, #tpu.memory_space<hbm>>
        %dma_wait3A_231 = arith.constant 0 : i32
        %dma_wait3A_232 = tpu.memref_slice %arg14[%dma_wait3A_231] : memref<624xf32, #tpu.memory_space<vmem>> -> memref<16xf32, #tpu.memory_space<vmem>>
        tpu.wait_dma2 semaphore(%run_scoped3A_220 : memref<!tpu.dma_semaphore, #tpu.memory_space<semaphore_mem>>) src(%dma_wait3A_232 : memref<16xf32, #tpu.memory_space<vmem>>) dst(%dma_wait3A_230 : memref<16xf32, #tpu.memory_space<hbm>>)
        tpu.yield
      }) : () -> ()
    } else {
    }
    return
  }
}

module attributes {stable_mosaic.version = 14 : i64} {
  func.func @body(%arg0: i32, %arg1: memref<2x2000x128xf32, #tpu.memory_space<vmem>>, %arg2: memref<2x2000x1xf32, #tpu.memory_space<vmem>>, %arg3: memref<2000x128xf32, #tpu.memory_space<vmem>>, %arg4: memref<128x128xf32, #tpu.memory_space<vmem>>, %arg5: memref<2000x128xf32, #tpu.memory_space<vmem>>) attributes {dimension_semantics = [#tpu.dimension_semantics<arbitrary>], iteration_bounds = array<i64: 5>, scalar_prefetch = 0 : i64, scratch_operands = 0 : i64, tpu.core_type = #tpu.core_type<tc>, window_params = [{transform_indices = @transform_0, window_bounds = array<i64: 2, 2000, 128>}, {transform_indices = @transform_1, window_bounds = array<i64: 2, 2000, 1>}, {transform_indices = @transform_2, window_bounds = array<i64: 2000, 128>}, {pipeline_mode = #tpu.pipeline_mode<synchronous>, transform_indices = @transform_3, window_bounds = array<i64: 128, 128>}, {transform_indices = @transform_4, window_bounds = array<i64: 2000, 128>}]} {
    %get3A = arith.constant 0 : index
    %get3A_0 = arith.constant 0 : index
    %get3A_1 = arith.constant 0 : index
    %get3A_2 = vector.load %arg1[%get3A, %get3A_0, %get3A_1] : memref<2x2000x128xf32, #tpu.memory_space<vmem>>, vector<1x2000x128xf32>
    %get3A_3 = vector.shape_cast %get3A_2 : vector<1x2000x128xf32> to vector<2000x128xf32>
    %get3A_4 = arith.constant 1 : index
    %get3A_5 = arith.constant 0 : index
    %get3A_6 = arith.constant 0 : index
    %get3A_7 = vector.load %arg1[%get3A_4, %get3A_5, %get3A_6] : memref<2x2000x128xf32, #tpu.memory_space<vmem>>, vector<1x2000x128xf32>
    %get3A_8 = vector.shape_cast %get3A_7 : vector<1x2000x128xf32> to vector<2000x128xf32>
    %add3A = arith.addf %get3A_3, %get3A_8 : vector<2000x128xf32>
    %get3A_9 = arith.constant 0 : index
    %get3A_10 = arith.constant 0 : index
    %get3A_11 = arith.constant 0 : index
    %get3A_12 = vector.load %arg2[%get3A_9, %get3A_10, %get3A_11] : memref<2x2000x1xf32, #tpu.memory_space<vmem>>, vector<1x2000x1xf32>
    %get3A_13 = vector.shape_cast %get3A_12 : vector<1x2000x1xf32> to vector<2000x1xf32>
    %get3A_14 = arith.constant 1 : index
    %get3A_15 = arith.constant 0 : index
    %get3A_16 = arith.constant 0 : index
    %get3A_17 = vector.load %arg2[%get3A_14, %get3A_15, %get3A_16] : memref<2x2000x1xf32, #tpu.memory_space<vmem>>, vector<1x2000x1xf32>
    %get3A_18 = vector.shape_cast %get3A_17 : vector<1x2000x1xf32> to vector<2000x1xf32>
    %add3A_19 = arith.addf %get3A_13, %get3A_18 : vector<2000x1xf32>
    %get3A_20 = arith.constant 0 : index
    %get3A_21 = arith.constant 0 : index
    %get3A_22 = vector.load %arg3[%get3A_20, %get3A_21] : memref<2000x128xf32, #tpu.memory_space<vmem>>, vector<2000x128xf32>
    %mul3A = vector.broadcast %add3A_19 : vector<2000x1xf32> to vector<2000x128xf32>
    %mul3A_23 = arith.mulf %mul3A, %get3A_22 : vector<2000x128xf32>
    %sub3A = arith.subf %add3A, %mul3A_23 : vector<2000x128xf32>
    %get3A_24 = arith.constant 0 : index
    %get3A_25 = arith.constant 0 : index
    %get3A_26 = vector.load %arg4[%get3A_24, %get3A_25] : memref<128x128xf32, #tpu.memory_space<vmem>>, vector<128x128xf32>
    %dot_general3A = arith.constant dense<0.000000e+00> : vector<2000x128xf32>
    %dot_general3A_27 = tpu.matmul %sub3A, %get3A_26, %dot_general3A {dimension_numbers = #tpu.dot_dimension_numbers<[1], [1], [0], [0], [0, 0, 1, 0], [], []>, transpose_lhs_hint = false} : vector<2000x128xf32>, vector<128x128xf32>, vector<2000x128xf32> -> vector<2000x128xf32>
    %swap3A = arith.constant 0 : index
    %swap3A_28 = arith.constant 0 : index
    %swap3A_29 = vector.load %arg5[%swap3A, %swap3A_28] : memref<2000x128xf32, #tpu.memory_space<vmem>>, vector<2000x128xf32>
    tpu.vector_store %arg5[%swap3A, %swap3A_28], %dot_general3A_27 {strides = array<i32>} : memref<2000x128xf32, #tpu.memory_space<vmem>>, vector<2000x128xf32>,
    return
  }
  func.func @transform_0(%arg0: i32) -> (i32, i32, i32) {
    %c0_i32 = arith.constant 0 : i32
    %c0_i32_0 = arith.constant 0 : i32
    %c0_i32_1 = arith.constant 0 : i32
    return %c0_i32, %arg0, %c0_i32_0 : i32, i32, i32
  }
  func.func @transform_1(%arg0: i32) -> (i32, i32, i32) {
    %c0_i32 = arith.constant 0 : i32
    %c0_i32_0 = arith.constant 0 : i32
    %c0_i32_1 = arith.constant 0 : i32
    return %c0_i32, %arg0, %c0_i32_0 : i32, i32, i32
  }
  func.func @transform_2(%arg0: i32) -> (i32, i32) {
    %c0_i32 = arith.constant 0 : i32
    %c0_i32_0 = arith.constant 0 : i32
    return %arg0, %c0_i32 : i32, i32
  }
  func.func @transform_3(%arg0: i32) -> (i32, i32) {
    %c0_i32 = arith.constant 0 : i32
    %c0_i32_0 = arith.constant 0 : i32
    %c0_i32_1 = arith.constant 0 : i32
    return %c0_i32, %c0_i32_0 : i32, i32
  }
  func.func @transform_4(%arg0: i32) -> (i32, i32) {
    %c0_i32 = arith.constant 0 : i32
    %c0_i32_0 = arith.constant 0 : i32
    return %arg0, %c0_i32 : i32, i32
  }
}

</mosaic_0001>

<sc_bundles>
// kernel: kernel.4.cloned.1.call-start
scs
__scs_entry_jumppad:
0x0: {  	(pc) =	sbr.rel $0x88, $3  }
0x1: {  	(tag) =	ssettag $0x0;
	lr =	simm.s32 $0x1  }
0x2: {  	[smem:$0x3F9E] =	sst lr;
	_ =	strace $0xD0000000  }
0x3: {  	_ = 	snop  }
0x4: {  	_ = 	snop  }
0x5: {  	_ = 	snop  }
0x6: {  	_ = 	snop  }
0x7: {  	_ = 	snop  }
__scs_overlays_trampoline_lowered:
0x8: {  	[smem:$0x3FAD] =	sst s0  }
0x9: {  	[smem:$0x3FAE] =	sst s1  }
0xa: {  	[smem:$0x3FAF] =	sst s2  }
0xb: {  	[smem:$0x3FB0] =	sst s3  }
0xc: {  	[smem:$0x3FB1] =	sst s4  }
0xd: {  	[smem:$0x3FB2] =	sst s5  }
0xe: {  	[smem:$0x3FB3] =	sst s6  }
0xf: {  	[smem:$0x3FB4] =	sst s7  }
0x10: {  	[smem:$0x3FB5] =	sst s8  }
0x11: {  	[smem:$0x3FB6] =	sst s9;
	s0 =	simm.s32 @!p0 $0x0  }
0x12: {  	s1 =	sld [smem:$0x3F9C];
	s0 =	simm.s32 @p0 $0x1  }
0x13: {  	[smem:$0x3FB7] =	sst s0;
	s0 =	simm.s32 @!p1 $0x0  }
0x14: {  	s2 =	sld [smem:$0x3F9B];
	s0 =	simm.s32 @p1 $0x1  }
0x15: {  	[smem:$0x3FB8] =	sst s0;
	s0 =	simm.s32 @!p2 $0x0  }
0x16: {  	s3 =	sld [smem:$0x3FDB];
	s0 =	simm.s32 @p2 $0x1  }
0x17: {  	s4 =	simm.s32 $0x1BF5;
	[smem:$0x3FBA] =	sst s0  }
0x18: {  	s0 =	sld [smem:$0x3F9D];
	_ =	swait.ge [sflag:s4], $0x0  }
0x19: {  	s7 =	sld [smem:$0x3F9E]  }
0x1a: {  	s8 =	sadd.s32 $0xFFFFE003, lr  }
0x1b: {  	s9 =	sadd.s32 $0xFFFFFEF7, lr;
	s5 =	simm.s32 $0xFFFFFFFF;
	p2 =	slt.u32 s8, $0xFFFFF086  }
0x1c: {  	p1 =	slt.u32 s9, $0xF7A;
	s5 =	simm.s32 @!p2 $0x0  }
0x1d: {  	s5 =	simm.s32 @p1 $0x1;
	p0 =	seq.s32 s7, s2  }
0x1e: {  	s7 =	smul.u32 @!p0 $0xF7A, s2;
	p2 =	seq.s32 @!p0 s5, $0x0  }
0x1f: {  	s9 =	smul.u32 $0xF7A, s1;
	s8 =	simm.s32 @!p0 $0x1BF5;
	p2 =	por !p2, p0  }
0x20: {  	[sflag:s8] =	ssyncset.s32 @!p0 $0xFFFFF086;
	s6 =	sadd.s32 @!p0 s3, s7;
	s7 =	simm.s32 @!p0 $0x108  }
0x21: {  	s3 =	sadd.s32 s3, s9;
	s6 =	sadd.s32 @!p0 $0x88, s6;
	s7 =	simm.s32 @p2 $0x1082  }
0x22: {  	[simem:s7], [sflag:s8] =	dma.local @!p0 [hbm:s6], $0xF7A  }
0x23: {  	s9 =	sor.u32 $0xD0000000, s2;
	s6 =	simm.s32 $0x108;
	_ =	swait.ge @!p0 [sflag:s8], $0x0  }
0x24: {  	s3 =	sadd.s32 $0x88, s3;
	s6 =	simm.s32 @!p1 $0x1082;
	[sflag:s4] =	ssyncset.s32 $0xFFFFF086  }
0x25: {  	[simem:s6], [sflag:s4] =	dma.local [hbm:s3], $0xF7A  }
0x26: {  	[smem:$0x3F9E] =	sst s1;
	(tag) =	ssettag s2;
	_ =	strace s9  }
0x27: {  	s1 =	sld [smem:$0x3FAE]  }
0x28: {  	s2 =	sld [smem:$0x3FAF]  }
0x29: {  	s4 =	sld [smem:$0x3FB1]  }
0x2a: {  	p0 =	seq.s32 s5, $0x0;
	s5 =	sld [smem:$0x3FB2]  }
0x2b: {  	s6 =	sld [smem:$0x3FB3]  }
0x2c: {  	s7 =	sld [smem:$0x3FB4]  }
0x2d: {  	s3 =	simm.s32 $0x108;
	s8 =	sld [smem:$0x3FB5]  }
0x2e: {  	s3 =	simm.s32 @!p0 $0x1082;
	s9 =	sld [smem:$0x3FB6]  }
0x2f: {  	lr =	sadd.s32 s0, s3;
	s0 =	sld [smem:$0x3FAD]  }
0x30: {  	s3 =	sld [smem:$0x3FB0]  }
0x31: {  	[smem:$0x3FB9] =	sst s10  }
0x32: {  	s10 =	sld [smem:$0x3FB7];
	_ =	sdelay $0x3  }
0x33: {  	p0 =	seq.s32 s10, $0x1;
	s10 =	sld [smem:$0x3FB9];
	_ =	sdelay $0x3  }
0x34: {  	[smem:$0x3FB9] =	sst s10  }
0x35: {  	s10 =	sld [smem:$0x3FB8];
	_ =	sdelay $0x3  }
0x36: {  	p1 =	seq.s32 s10, $0x1;
	s10 =	sld [smem:$0x3FB9];
	_ =	sdelay $0x3  }
0x37: {  	[smem:$0x3FB9] =	sst s10  }
0x38: {  	s10 =	sld [smem:$0x3FBA]  }
0x39: {  	_ = 	snop;
	(pc) =	sbr.ind lr, $3  }
0x3a: {  	_ = 	snop  }
0x3b: {  	_ = 	snop  }
0x3c: {  	p2 =	seq.s32 s10, $0x1;
	s10 =	sld [smem:$0x3FB9]  }
0x3d: {  	_ =	shalt  }
0x3e: {  	_ =	shalt  }
0x3f: {  	_ =	shalt  }
0x40: {  	_ =	shalt  }
0x41: {  	_ =	shalt  }
0x42: {  	_ =	shalt  }
0x43: {  	_ =	shalt  }
0x44: {  	_ =	shalt  }
0x45: {  	_ =	shalt  }
0x46: {  	_ =	shalt  }
0x47: {  	_ =	shalt  }
0x48: {  	_ =	shalt  }
0x49: {  	_ =	shalt  }
0x4a: {  	_ =	shalt  }
0x4b: {  	_ =	shalt  }
0x4c: {  	_ =	shalt  }
0x4d: {  	_ =	shalt  }
0x4e: {  	_ =	shalt  }
0x4f: {  	_ =	shalt  }
0x50: {  	_ =	shalt  }
0x51: {  	_ =	shalt  }
0x52: {  	_ =	shalt  }
0x53: {  	_ =	shalt  }
0x54: {  	_ =	shalt  }
0x55: {  	_ =	shalt  }
0x56: {  	_ =	shalt  }
0x57: {  	_ =	shalt  }
0x58: {  	_ =	shalt  }
0x59: {  	_ =	shalt  }
0x5a: {  	_ =	shalt  }
0x5b: {  	_ =	shalt  }
0x5c: {  	_ =	shalt  }
0x5d: {  	_ =	shalt  }
0x5e: {  	_ =	shalt  }
0x5f: {  	_ =	shalt  }
0x60: {  	_ =	shalt  }
0x61: {  	_ =	shalt  }
0x62: {  	_ =	shalt  }
0x63: {  	_ =	shalt  }
0x64: {  	_ =	shalt  }
0x65: {  	_ =	shalt  }
0x66: {  	_ =	shalt  }
0x67: {  	_ =	shalt  }
0x68: {  	_ =	shalt  }
0x69: {  	_ =	shalt  }
0x6a: {  	_ =	shalt  }
0x6b: {  	_ =	shalt  }
0x6c: {  	_ =	shalt  }
0x6d: {  	_ =	shalt  }
0x6e: {  	_ =	shalt  }
0x6f: {  	_ =	shalt  }
0x70: {  	_ =	shalt  }
0x71: {  	_ =	shalt  }
0x72: {  	_ =	shalt  }
0x73: {  	_ =	shalt  }
0x74: {  	_ =	shalt  }
0x75: {  	_ =	shalt  }
0x76: {  	_ =	shalt  }
0x77: {  	_ =	shalt  }
0x78: {  	_ =	shalt  }
0x79: {  	_ =	shalt  }
0x7a: {  	_ =	shalt  }
0x7b: {  	_ =	shalt  }
0x7c: {  	_ =	shalt  }
0x7d: {  	_ =	shalt  }
0x7e: {  	_ =	shalt  }
0x7f: {  	_ =	shalt  }
0x80: {  	_ =	shalt  }
0x81: {  	_ =	shalt  }
0x82: {  	_ =	shalt  }
0x83: {  	_ =	shalt  }
0x84: {  	_ =	shalt  }
0x85: {  	_ =	shalt  }
0x86: {  	_ =	shalt  }
0x87: {  	_ =	shalt  }
.Lfunc_end0:
.L_simem_size_0:
called_computation_lowered:
.L_overlay_start_0:
0x88: {  	s2 =	sld [smem:$0x3FD9]  }
0x89: {  	s3 =	sld [smem:$0x3FFE];
	_ =	sdelay $0x1  }
0x8a: {  	s1 =	srdreg.scid  }
0x8b: {  	s0 =	sand.u32 $0x1, s1  }
0x8c: {  	s17 =	sshll.u32 s0, $0xA;
	s2 =	sadd.s32 s3, s2  }
0x8d: {  	s2 =	sadd.s32 s2, s17  }
0x8e: {  	[smem:$0x3FC5] =	sst s2  }
0x8f: {  	_ = 	snop  }
0x90: {  	s2 =	sld [smem:$0x3FC9]  }
0x91: {  	s18 =	sld [smem:$0x3FD0];
	(tm) =	ssettm $0x1  }
0x92: {  	s4 =	sld [smem:$0x3FFB];
	_ =	sdelay $0x3  }
0x93: {  	_ =	strace s4  }
0x94: {  	s4 =	sld [smem:$0x3FFC];
	_ =	sdelay $0x3  }
0x95: {  	_ =	strace s4  }
0x96: {  	s4 =	sld [smem:$0x3FFD];
	_ =	sdelay $0x3  }
0x97: {  	_ =	strace s4  }
0x98: {  	_ =	strace $0x8FFFFFFF  }
0x99: {  	s19 =	sld [smem:$0x3FDB];
	_ =	sdelay $0x1  }
0x9a: {  	s5 =	simm.s32 $_scs_section_size  }
0x9b: {  	s6 =	simm.s32 $_size__tile_overlayer_lowered;
	s7 =	simm.s32 $_tile_overlayer_lowered  }
0x9c: {  	s22 =	simm.s32 $0x1BFF;
	s21 =	sshll.u32 s7, $0x1;
	s4 =	sadd.s32 s5, s19  }
0x9d: {  	s8 =	simm.s32 $0x0;
	s20 =	sshll.u32 s6, $0x1;
	s6 =	sadd.s32 s21, s4  }
0x9e: {  	[timem:s8], [sflag:s22] =	dma.local [hbm:s6], s20  }
0x9f: {  	_ =	swait.ge [sflag:s22], s20  }
0xa0: {  	s5 =	ssub.s32 $0x0, s20;
	[sflag:s22] =	ssyncset.done $0x0  }
0xa1: {  	[sflag:s22] =	ssyncadd.s32 s5;
	_ =	sdelay $0x1  }
0xa2: {  	s23 =	simm.s32 $0x1B8B  }
0xa3: {  	_ =	swait.ge [sflag:s23], $0x1  }
0xa4: {  	[sflag:s23] =	ssyncset.done $0x0  }
0xa5: {  	s25 =	simm.s32 $0x1B8E;
	s24 =	sld [smem:$0x3FFE];
	[sflag:s23] =	ssyncadd.s32 $0xFFFFFFFF  }
0xa6: {  	s26 =	simm.s32 $execute0_lowered;
	[smem:$0x3FD2] =	sst s25  }
0xa7: {  	s6 =	sshll.u32 s26, $0x1;
	_ =	strace $0x80000046;
	[dreg:$0x1] =	wrdreg $0xFFFFFFFF  }
0xa8: {  	s28 =	simm.s32 $_size_execute0_lowered;
	s4 =	sadd.s32 s4, s6;
	[dreg:$0x0] =	wrdreg $0x0  }
0xa9: {  	s6 =	sshll.u32 s28, $0x1;
	[dreg:$0x2] =	wrdreg s4  }
0xaa: {  	[dreg:$0x3] =	wrdreg s6  }
0xab: {  	[dreg:$0x4] =	wrdreg $0xC0  }
0xac: {  	_ =	task [dreg:s8], $0x5FFFF  }
0xad: {  	[dreg:$0x1] =	wrdreg $0xFFFFFFFF  }
0xae: {  	[dreg:$0x0] =	wrdreg $0x60  }
0xaf: {  	[dreg:$0x2] =	wrdreg s2  }
0xb0: {  	[dreg:$0x3] =	wrdreg s18  }
0xb1: {  	[dreg:$0x4] =	wrdreg s24  }
0xb2: {  	[dreg:$0x5] =	wrdreg $0xC5000  }
0xb3: {  	[dreg:$0x6] =	wrdreg $0x1FD800  }
0xb4: {  	[dreg:$0x7] =	wrdreg $0x9  }
0xb5: {  	_ =	task.clear_ibuf [dreg:s8], $0x8FFFF;
	_ =	strace $0x90000046  }
0xb6: {  	s29 =	simm.s32 $0x9;
	_ =	strace $0x80000048  }
0xb7: {  	_ =	swait.ge [sflag:s29], $0x1  }
0xb8: {  	[sflag:s29] =	ssyncadd.s32 $0xFFFFFFFF  }
0xb9: {  	_ =	strace $0x90000048  }
0xba: {  	_ =	sfence  }
0xbb: {  	s30 =	sld [smem:$0x0];
	_ =	sdelay $0x2  }
0xbc: {  	s31 =	sshll.u32 s1, $0xD;
	s1 =	sshrl.u32 s1, $0x2  }
0xbd: {  	s3 =	sand.u32 $0x4000, s31;
	s1 =	sadd.s32 s1, s30  }
0xbe: {  	s0 =	sor.u32 s3, s0;
	s1 =	sshll.u32 s1, $0x11  }
0xbf: {  	s0 =	sor.u32 s1, s0  }
0xc0: {  	s0 =	sadd.s32 $0x8F2B, s0  }
0xc1: {  	[sflag:s0] =	ssyncadd.remote.s32 $0x1  }
0xc2: {  	_ =	sfence.sel $0xFFFF  }
0xc3: {  	[dreg:$0x0] =	wrdreg $0xFFFFFFFF;
	(pc) =	sbr.abs _section_cstart, $3  }
0xc4: {  	[dreg:$0x1] =	wrdreg $0xFFFFFFFF  }
0xc5: {  	_ =	task.clear_ibuf [dreg:s8], $0x2FFFF;
	_ =	strace $0x9FFFFFFF  }
0xc6: {  	(tm) =	ssettm $0x7FFFFFFF  }
0xc7: {  	_ =	shalt  }
tec
execute0_lowered:
.L_overlay_start_1:
0x0: {  	(tag) =	ssettag $0x1  }
0x1: {  	s0 =	rddreg [dreg:$0x0]  }
0x2: {  	s11 =	rddreg [dreg:$0x1]  }
0x3: {  	s1 =	rddreg [dreg:$0x2]  }
0x4: {  	s2 =	srdreg.scid;
	s3 =	rddreg [dreg:$0x3]  }
0x5: {  	s4 =	rddreg [dreg:$0x4];
	s12 =	stileid.u32;
	s13 =	simm.s32 $0x0  }
0x6: {  	s28 =	simm.s32 $0x2980;
	s30 =	simm.s32 $0x8A00;
	s29 =	simm.s32 $0x1  }
0x7: {  	s31 =	simm.s32 $0xAA00;
	s2 =	sand.u32 $0x1, s2;
	s26 =	smul.u32 $0x4E000, s12  }
0x8: {  	[smem:$0x7FF] =	sst s13;
	s18 =	smul.u32 $0x13800, s12;
	s5 =	sshll.u32 s2, $0x4  }
0x9: {  	s6 =	sadd.s32 $0x1E00, s1;
	s19 =	smul.u32 $0x270, s12;
	s5 =	sor.u32 s12, s5  }
0xa: {  	s1 =	sadd.s32 $0x1400, s1;
	p0 =	sne.s32 s12, $0x0;
	s5 =	smul.u32 $0x2710, s5  }
0xb: {  	_ =	strace $0x80000047;
	s7 =	ssub.s32 $0x2, s2;
	s16 =	smul.u32 $0x138800, s2  }
0xc: {  	s21 =	smul.u32 $0x2710, s2;
	s23 =	sadd.s32 s19, s4;
	s5 =	sshrl.u32 s5, $0x3  }
0xd: {  	s2 =	smul.u32 $0x27100, s2;
	[dreg:$0xf] =	wrdreg s23;
	s10 =	sadd.s32 s11, s5  }
0xe: {  	s8 =	sshrl.u32 s7, $0x1;
	s14 =	sadd.s32 $0x9C40, s10;
	[dreg:$0x6] =	wrdreg s10  }
0xf: {  	s7 =	ssub.s32 s7, s8;
	s15 =	sadd.s32 $0x4E0, s10;
	[dreg:$0x7] =	wrdreg s14  }
0x10: {  	s20 =	sadd.s32 s18, s16;
	s9 =	sadd.s32 $0x8, s10;
	[dreg:$0x8] =	wrdreg s15  }
0x11: {  	s24 =	sadd.s32 s19, s21;
	s17 =	sadd.s32 $0x10, s10;
	[dreg:$0x9] =	wrdreg s9  }
0x12: {  	s5 =	sshrl.u32 s26, $0x2;
	s10 =	sadd.s32 $0x18, s10;
	[dreg:$0xa] =	wrdreg s17  }
0x13: {  	s8 =	sshrl.u32 s16, $0x3;
	[dreg:$0xb] =	wrdreg s10;
	s17 =	sadd.s32 s5, s3  }
0x14: {  	s26 =	smul.u32 $0x2710, s12;
	s14 =	sadd.s32 $0x1800, s17;
	[dreg:$0xc] =	wrdreg s17  }
0x15: {  	s5 =	sshrl.u32 s20, $0x3;
	s22 =	sadd.s32 $0x3000, s17;
	[dreg:$0xd] =	wrdreg s14  }
0x16: {  	s9 =	sadd.s32 s26, s2;
	s5 =	sadd.s32 s6, s5;
	[dreg:$0xe] =	wrdreg s22  }
0x17: {  	s6 =	sadd.s32 s6, s8;
	s8 =	smax.u32 s7, $0x1;
	[dreg:$0x10] =	wrdreg s5  }
0x18: {  	s25 =	sshrl.u32 s21, $0x3;
	s2 =	sadd.s32 $0x100, s9;
	[dreg:$0x14] =	wrdreg s8  }
0x19: {  	s10 =	sadd.s32 $0x140, s9;
	s16 =	sadd.s32 $0x4800, s17;
	[dreg:$0x15] =	wrdreg s2  }
0x1a: {  	s18 =	sadd.s32 $0x6000, s17;
	s19 =	sadd.s32 $0x7800, s17;
	[dreg:$0x19] =	wrdreg s16  }
0x1b: {  	s20 =	sadd.s32 $0x9000, s17;
	s21 =	sadd.s32 $0xA800, s17;
	[dreg:$0x1a] =	wrdreg s18  }
0x1c: {  	s23 =	sadd.s32 $0xD800, s17;
	s26 =	sadd.s32 $0x12000, s17;
	[dreg:$0x1b] =	wrdreg s19  }
0x1d: {  	s7 =	simm.s32 $0x7;
	s5 =	sshrl.u32 s24, $0x3;
	[dreg:$0x1c] =	wrdreg s20  }
0x1e: {  	s6 =	sadd.s32 $0x27000, s6;
	s14 =	sadd.s32 $0x180, s9;
	[dreg:$0x1d] =	wrdreg s21  }
0x1f: {  	s2 =	sshrl.u32 s10, $0x3;
	s22 =	sadd.s32 $0xC000, s17;
	[dreg:$0x1f] =	wrdreg s23  }
0x20: {  	s24 =	sadd.s32 $0xF000, s17;
	[smem:$0x7FB] =	sst s26;
	s19 =	sadd.s32 $0x138000, s3  }
0x21: {  	s23 =	sadd.s32 $0x2700, s4;
	s26 =	simm.s32 $0x2780;
	[dreg:$0x12] =	wrdreg s6  }
0x22: {  	s18 =	simm.s32 $0x40;
	s20 =	simm.s32 $0x2A00;
	[dreg:$0x1e] =	wrdreg s22  }
0x23: {  	s21 =	simm.s32 $0x2880;
	s8 =	simm.s32 $0x6;
	[smem:$0x7F9] =	sst s24  }
0x24: {  	s10 =	simm.s32 $0x3;
	s16 =	simm.s32 $0x8;
	[smem:$0x7FC] =	sst s19  }
0x25: {  	s5 =	sadd.s32 s1, s5;
	s1 =	sadd.s32 s1, s25;
	[smem:$0x7FD] =	sst s23  }
0x26: {  	s2 =	sadd.s32 s2, s11;
	s25 =	sadd.s32 $0x10800, s17;
	[dreg:$0x11] =	wrdreg s5  }
0x27: {  	s22 =	simm.s32 $0x2800;
	s24 =	simm.s32 $0x2900;
	[dreg:$0x16] =	wrdreg s2  }
0x28: {  	s1 =	sadd.s32 $0x4E0, s1;
	s5 =	sshrl.u32 s14, $0x3;
	[smem:$0x7FA] =	sst s25  }
.Ltmp0:
0x29: {  	s14 =	simm.s32 $0xD;
	s25 =	simm.s32 $0x4;
	(pc) =	sbr.rel .LBB2_1-.Ltmp0, $4  }
0x2a: {  	s2 =	simm.s32 $0x0;
	[dreg:$0x13] =	wrdreg s1;
	s1 =	sadd.s32 $0x1C0, s9  }
0x2b: {  	s15 =	sadd.s32 s5, s11;
	s5 =	simm.s32 $0x2;
	s1 =	sshrl.u32 s1, $0x3  }
0x2c: {  	s9 =	simm.s32 $0xA;
	[dreg:$0x17] =	wrdreg s15;
	s1 =	sadd.s32 s1, s11  }
0x2d: {  	v0 =	vimm.f32 $0.0e+00;
	v1 =	vimm.f32 $1.000000000e+00;
	s15 =	simm.s32 $0xB;
	s11 =	simm.s32 $0xC;
	[dreg:$0x18] =	wrdreg s1  }
.LBB2_6:
0x2e: {  	s1 =	simm.s32 $0x2A00;
	s2 =	simm.s32 $0x10;
	s6 =	simm.s32 $0x2700  }
0x2f: {  	[tilespmem:s1], [sflag:$0x1] =	stream.indirect.gather [hbm4b:s0+s2], $0x80, s6, s2, $0xb8;
	v63 =	vld [tilespmem:$0x0]  }
0x30: {  	_ =	swait.ge [sflag:s29], $0x800  }
0x31: {  	[sflag:s29] =	ssyncset.done $0x0  }
0x32: {  	s28 =	simm.s32 $0x2980;
	[sflag:s29] =	ssyncadd.s32 $0xFFFFF800  }
0x33: {  	[spmem:s3] =	stream.indirect.scatter.add.f32 [tilespmem:s1], [sflag:$0xD], $0x80, s28, s2, $0xb8;
	v63 =	vld [tilespmem:$0x0]  }
0x34: {  	_ =	swait.ge [sflag:s14], $0x800  }
0x35: {  	[sflag:s14] =	ssyncset.done $0x0  }
0x36: {  	[sflag:s14] =	ssyncadd.s32 $0xFFFFF800  }
0x37: {  	[spmem:s4] =	stream.indirect.scatter.add.f32 [tilespmem:s31], [sflag:$0xD], $0x1, s28, s2, $0xb8;
	v63 =	vld [tilespmem:$0x0]  }
0x38: {  	_ =	swait.ge [sflag:s14], $0x10  }
0x39: {  	[sflag:s14] =	ssyncset.done $0x0  }
0x3a: {  	[sflag:s14] =	ssyncadd.s32 $0xFFFFFFF0  }
0x3b: {  	s12 =	stileid.u32;
	[bflag:$0x0] =	sbarrier.arrive $0xFFFF  }
0x3c: {  	s1 =	sshll.u32 s12, $0x6;
	s17 =	rddreg [dreg:$0xc]  }
0x3d: {  	s1 =	sor.u32 $0x1C0D, s1;
	s12 =	rddreg [dreg:$0x10];
	s13 =	sshrl.u32 s17, $0x3  }
0x3e: {  	[hbm:s12], [sflag:s1] =	dma.local [spmem:s13], $0x2700  }
0x3f: {  	_ =	swait.ge [sflag:s14], $0x2700  }
0x40: {  	[sflag:s14] =	ssyncset.done $0x0  }
0x41: {  	s20 =	simm.s32 $0xAA80;
	s19 =	rddreg [dreg:$0xf];
	[sflag:s14] =	ssyncadd.s32 $0xFFFFD900  }
0x42: {  	[tilespmem:s20], [sflag:$0xD] =	stream.linear.gather [spmem:s19], $0x270, $0x38;
	v63 =	vld [tilespmem:$0x0]  }
0x43: {  	_ =	swait.ge [sflag:s14], $0x270  }
0x44: {  	[sflag:s14] =	ssyncset.done $0x0  }
0x45: {  	s13 =	simm.s32 $0x0;
	s23 =	rddreg [dreg:$0x11];
	[sflag:s14] =	ssyncadd.s32 $0xFFFFFD90  }
0x46: {  	[hbm4b:s23+s13] =	stream.linear.scatter [tilespmem:s20], [sflag:$0xD], $0x270, $0x38;
	v63 =	vld [tilespmem:$0x0]  }
0x47: {  	_ =	swait.ge [sflag:s14], $0x270  }
0x48: {  	s19 =	sld [smem:$0x7FC];
	_ =	sdelay $0x1  }
0x49: {  	[sflag:s14] =	ssyncset.done $0x0  }
0x4a: {  	s12 =	rddreg [dreg:$0x12];
	[sflag:s14] =	ssyncadd.s32 $0xFFFFFD90;
	s6 =	sshrl.u32 @!p0 s19, $0x3  }
0x4b: {  	[hbm:s12], [sflag:s1] =	dma.local @!p0 [spmem:s6], $0x100  }
0x4c: {  	s1 =	simm.s32 @!p0 $0xD  }
0x4d: {  	_ =	swait.ge @!p0 [sflag:s1], $0x100  }
0x4e: {  	s23 =	sld [smem:$0x7FD]  }
0x4f: {  	[sflag:s1] =	ssyncset.done @!p0 $0x0  }
0x50: {  	s6 =	simm.s32 @!p0 $0xAA80;
	[sflag:s1] =	ssyncadd.s32 @!p0 $0xFFFFFF00  }
0x51: {  	[tilespmem:s6], [sflag:$0xD] =	stream.linear.gather @!p0 [spmem:s23], $0x10, $0x38;
	v63 =	vld [tilespmem:$0x0]  }
0x52: {  	_ =	swait.ge @!p0 [sflag:s1], $0x10  }
0x53: {  	[sflag:s1] =	ssyncset.done @!p0 $0x0  }
0x54: {  	s12 =	simm.s32 @!p0 $0x0;
	s20 =	rddreg [dreg:$0x13];
	[sflag:s1] =	ssyncadd.s32 @!p0 $0xFFFFFFF0  }
0x55: {  	[hbm4b:s20+s12] =	stream.linear.scatter @!p0 [tilespmem:s6], [sflag:$0xD], $0x10, $0x38;
	v63 =	vld [tilespmem:$0x0]  }
0x56: {  	_ =	swait.ge @!p0 [sflag:s1], $0x10  }
0x57: {  	s6 =	sld [smem:$0x7F8];
	_ =	sdelay $0x2  }
0x58: {  	s12 =	rddreg [dreg:$0x14];
	s2 =	sadd.s32 $0x1, s6  }
0x59: {  	p1 =	sne.s32 s2, s12  }
.Ltmp1:
0x5a: {  	_ = 	snop;
	(pc) =	sbr.rel @!p1 .LBB2_7-.Ltmp1, $3  }
0x5b: {  	_ =	sdelay $0x1  }
0x5c: {  	[sflag:s1] =	ssyncset.done @!p0 $0x0  }
0x5d: {  	s20 =	simm.s32 $0x2A00;
	[sflag:s1] =	ssyncadd.s32 @!p0 $0xFFFFFFF0  }
.LBB2_1:
0x5e: {  	[smem:$0x7F8] =	sst s2  }
0x5f: {  	s1 =	rddreg [dreg:$0x7]  }
0x60: {  	[tilespmem:s13], [sflag:$0xD] =	stream.linear.gather [hbm4b:s1+s13], $0x2710, $0x38;
	v63 =	vld [tilespmem:$0x0]  }
0x61: {  	_ =	swait.ge [sflag:s14], $0x2710  }
0x62: {  	[sflag:s14] =	ssyncset.done $0x0  }
0x63: {  	s12 =	rddreg [dreg:$0x8];
	[sflag:s14] =	ssyncadd.s32 $0xFFFFD8F0  }
0x64: {  	[tilespmem:s28], [sflag:$0xD] =	stream.linear.gather [hbm4b:s12+s13], $0x10, $0x38;
	v63 =	vld [tilespmem:$0x0]  }
0x65: {  	_ =	swait.ge [sflag:s14], $0x10  }
0x66: {  	[sflag:s14] =	ssyncset.done $0x0  }
0x67: {  	s28 =	rddreg [dreg:$0x6];
	[sflag:s14] =	ssyncadd.s32 $0xFFFFFFF0  }
0x68: {  	[tilespmem:s26], [sflag:$0x5] =	stream.linear.gather [hbm4b:s28+s13], $0x40, $0x38;
	v63 =	vld [tilespmem:$0x0]  }
0x69: {  	_ = 	snop  }
0x6a: {  	[tilespmem:s20], [sflag:$0x1] =	stream.indirect.gather [hbm4b:s0+s18], $0x80, s13, s18, $0xb8;
	v63 =	vld [tilespmem:$0x0]  }
0x6b: {  	s2 =	rddreg [dreg:$0x9]  }
0x6c: {  	[tilespmem:s22], [sflag:$0x6] =	stream.linear.gather [hbm4b:s2+s13], $0x40, $0x38;
	v63 =	vld [tilespmem:$0x0]  }
0x6d: {  	s6 =	simm.s32 $0x4A00  }
0x6e: {  	[tilespmem:s6], [sflag:$0x2] =	stream.indirect.gather [hbm4b:s0+s18], $0x80, s18, s18, $0xb8;
	v63 =	vld [tilespmem:$0x0]  }
0x6f: {  	s12 =	rddreg [dreg:$0xa]  }
0x70: {  	[tilespmem:s21], [sflag:$0x7] =	stream.linear.gather [hbm4b:s12+s13], $0x40, $0x38;
	v63 =	vld [tilespmem:$0x0]  }
0x71: {  	s22 =	simm.s32 $0x80;
	s6 =	simm.s32 $0x6A00  }
0x72: {  	[tilespmem:s6], [sflag:$0x3] =	stream.indirect.gather [hbm4b:s0+s18], $0x80, s22, s18, $0xb8;
	v63 =	vld [tilespmem:$0x0]  }
0x73: {  	s26 =	rddreg [dreg:$0xb]  }
0x74: {  	[tilespmem:s24], [sflag:$0x8] =	stream.linear.gather [hbm4b:s26+s13], $0x40, $0x38;
	v63 =	vld [tilespmem:$0x0]  }
0x75: {  	s1 =	simm.s32 $0x0;
	s28 =	simm.s32 $0xC0;
	s6 =	simm.s32 $0x200  }
0x76: {  	[tilespmem:s30], [sflag:$0x4] =	stream.indirect.gather [hbm4b:s0+s18], $0x80, s28, s18, $0xb8;
	v63 =	vld [tilespmem:$0x0]  }
.LBB2_2:
0x77: {  	p1 =	sne.s32 s6, $0x5E00;
	[tilespmem:s1+$0xAD70] =	vst v0  }
0x78: {  	[tilespmem:s1+$0xAD00] =	vst v0  }
0x79: {  	[tilespmem:s1+$0xAD10] =	vst v0  }
.Ltmp2:
0x7a: {  	[tilespmem:s1+$0xAD20] =	vst v0;
	(pc) =	sbr.rel @p1 .LBB2_2-.Ltmp2, $4  }
0x7b: {  	[tilespmem:s1+$0xAD30] =	vst v0  }
0x7c: {  	[tilespmem:s1+$0xAD40] =	vst v0  }
0x7d: {  	[tilespmem:s1+$0xAD50] =	vst v0  }
0x7e: {  	[tilespmem:s1+$0xAD60] =	vst v0;
	s1 =	sshra.s32 s6, $0x2;
	s6 =	sadd.s32 $0x200, s6  }
0x7f: {  	[tilespmem:s1+$0xAD70] =	vst v0  }
0x80: {  	[tilespmem:s1+$0xAD00] =	vst v0  }
0x81: {  	[tilespmem:s1+$0xAD10] =	vst v0  }
0x82: {  	[tilespmem:s1+$0xAD20] =	vst v0  }
0x83: {  	[tilespmem:s1+$0xAD30] =	vst v0  }
0x84: {  	[tilespmem:s1+$0xAD40] =	vst v0  }
0x85: {  	[tilespmem:s1+$0xAD50] =	vst v0  }
0x86: {  	[tilespmem:s1+$0xAD60] =	vst v0  }
0x87: {  	[tilespmem:$0xAA80] =	vst v0  }
0x88: {  	[tilespmem:$0xAA90] =	vst v0  }
0x89: {  	[tilespmem:$0xAAA0] =	vst v0  }
0x8a: {  	[tilespmem:$0xAAB0] =	vst v0  }
0x8b: {  	[tilespmem:$0xAAC0] =	vst v0  }
0x8c: {  	[tilespmem:$0xAAD0] =	vst v0  }
0x8d: {  	[tilespmem:$0xAAE0] =	vst v0  }
0x8e: {  	[tilespmem:$0xAAF0] =	vst v0  }
0x8f: {  	[tilespmem:$0xAB00] =	vst v0  }
0x90: {  	[tilespmem:$0xAB10] =	vst v0  }
0x91: {  	[tilespmem:$0xAB20] =	vst v0  }
0x92: {  	[tilespmem:$0xAB30] =	vst v0  }
0x93: {  	[tilespmem:$0xAB40] =	vst v0  }
0x94: {  	[tilespmem:$0xAB50] =	vst v0  }
0x95: {  	[tilespmem:$0xAB60] =	vst v0  }
0x96: {  	[tilespmem:$0xAB70] =	vst v0  }
0x97: {  	[tilespmem:$0xAB80] =	vst v0  }
0x98: {  	[tilespmem:$0xAB90] =	vst v0  }
0x99: {  	[tilespmem:$0xABA0] =	vst v0  }
0x9a: {  	[tilespmem:$0xABB0] =	vst v0  }
0x9b: {  	[tilespmem:$0xABC0] =	vst v0  }
0x9c: {  	[tilespmem:$0xABD0] =	vst v0  }
0x9d: {  	[tilespmem:$0xABE0] =	vst v0  }
0x9e: {  	[tilespmem:$0xABF0] =	vst v0  }
0x9f: {  	[tilespmem:$0xAC00] =	vst v0  }
0xa0: {  	[tilespmem:$0xAC10] =	vst v0  }
0xa1: {  	[tilespmem:$0xAC20] =	vst v0  }
0xa2: {  	[tilespmem:$0xAC30] =	vst v0  }
0xa3: {  	[tilespmem:$0xAC40] =	vst v0  }
0xa4: {  	[tilespmem:$0xAC50] =	vst v0  }
0xa5: {  	[tilespmem:$0xAC60] =	vst v0  }
0xa6: {  	[tilespmem:$0xAC70] =	vst v0  }
0xa7: {  	[tilespmem:$0xAC80] =	vst v0  }
0xa8: {  	[tilespmem:$0xAC90] =	vst v0  }
0xa9: {  	[tilespmem:$0xACA0] =	vst v0  }
0xaa: {  	[tilespmem:$0xACB0] =	vst v0  }
0xab: {  	[tilespmem:$0xACC0] =	vst v0  }
0xac: {  	[tilespmem:$0xACD0] =	vst v0  }
0xad: {  	s2 =	simm.s32 $0xAD00;
	[tilespmem:$0xACE0] =	vst v0  }
0xae: {  	[spmem:s17] =	stream.linear.scatter [tilespmem:s2], [sflag:$0xD], $0x1800, $0x38;
	v63 =	vld [tilespmem:$0x0]  }
0xaf: {  	_ =	swait.ge [sflag:s14], $0x1800  }
0xb0: {  	[sflag:s14] =	ssyncset.done $0x0  }
0xb1: {  	s13 =	rddreg [dreg:$0xd];
	[sflag:s14] =	ssyncadd.s32 $0xFFFFE800  }
0xb2: {  	[spmem:s13] =	stream.linear.scatter [tilespmem:s2], [sflag:$0xD], $0x1800, $0x38;
	v63 =	vld [tilespmem:$0x0]  }
0xb3: {  	_ =	swait.ge [sflag:s14], $0x1800  }
0xb4: {  	[sflag:s14] =	ssyncset.done $0x0  }
0xb5: {  	s17 =	rddreg [dreg:$0xe];
	[sflag:s14] =	ssyncadd.s32 $0xFFFFE800  }
0xb6: {  	[spmem:s17] =	stream.linear.scatter [tilespmem:s2], [sflag:$0xD], $0x1800, $0x38;
	v63 =	vld [tilespmem:$0x0]  }
0xb7: {  	_ =	swait.ge [sflag:s14], $0x1800  }
0xb8: {  	[sflag:s14] =	ssyncset.done $0x0  }
0xb9: {  	s21 =	rddreg [dreg:$0x19];
	[sflag:s14] =	ssyncadd.s32 $0xFFFFE800  }
0xba: {  	[spmem:s21] =	stream.linear.scatter [tilespmem:s2], [sflag:$0xD], $0x1800, $0x38;
	v63 =	vld [tilespmem:$0x0]  }
0xbb: {  	_ =	swait.ge [sflag:s14], $0x1800  }
0xbc: {  	[sflag:s14] =	ssyncset.done $0x0  }
0xbd: {  	s22 =	rddreg [dreg:$0x1a];
	[sflag:s14] =	ssyncadd.s32 $0xFFFFE800  }
0xbe: {  	[spmem:s22] =	stream.linear.scatter [tilespmem:s2], [sflag:$0xD], $0x1800, $0x38;
	v63 =	vld [tilespmem:$0x0]  }
0xbf: {  	_ =	swait.ge [sflag:s14], $0x1800  }
0xc0: {  	[sflag:s14] =	ssyncset.done $0x0  }
0xc1: {  	s24 =	rddreg [dreg:$0x1b];
	[sflag:s14] =	ssyncadd.s32 $0xFFFFE800  }
0xc2: {  	[spmem:s24] =	stream.linear.scatter [tilespmem:s2], [sflag:$0xD], $0x1800, $0x38;
	v63 =	vld [tilespmem:$0x0]  }
0xc3: {  	_ =	swait.ge [sflag:s14], $0x1800  }
0xc4: {  	[sflag:s14] =	ssyncset.done $0x0  }
0xc5: {  	s26 =	rddreg [dreg:$0x1c];
	[sflag:s14] =	ssyncadd.s32 $0xFFFFE800  }
0xc6: {  	[spmem:s26] =	stream.linear.scatter [tilespmem:s2], [sflag:$0xD], $0x1800, $0x38;
	v63 =	vld [tilespmem:$0x0]  }
0xc7: {  	_ =	swait.ge [sflag:s14], $0x1800  }
0xc8: {  	[sflag:s14] =	ssyncset.done $0x0  }
0xc9: {  	s6 =	rddreg [dreg:$0x1d];
	[sflag:s14] =	ssyncadd.s32 $0xFFFFE800  }
0xca: {  	[spmem:s6] =	stream.linear.scatter [tilespmem:s2], [sflag:$0xD], $0x1800, $0x38;
	v63 =	vld [tilespmem:$0x0]  }
0xcb: {  	_ =	swait.ge [sflag:s14], $0x1800  }
0xcc: {  	[sflag:s14] =	ssyncset.done $0x0  }
0xcd: {  	s12 =	rddreg [dreg:$0x1e];
	[sflag:s14] =	ssyncadd.s32 $0xFFFFE800  }
0xce: {  	[spmem:s12] =	stream.linear.scatter [tilespmem:s2], [sflag:$0xD], $0x1800, $0x38;
	v63 =	vld [tilespmem:$0x0]  }
0xcf: {  	_ =	swait.ge [sflag:s14], $0x1800  }
0xd0: {  	[sflag:s14] =	ssyncset.done $0x0  }
0xd1: {  	s13 =	rddreg [dreg:$0x1f];
	[sflag:s14] =	ssyncadd.s32 $0xFFFFE800  }
0xd2: {  	[spmem:s13] =	stream.linear.scatter [tilespmem:s2], [sflag:$0xD], $0x1800, $0x38;
	v63 =	vld [tilespmem:$0x0]  }
0xd3: {  	_ =	swait.ge [sflag:s14], $0x1800  }
0xd4: {  	s17 =	sld [smem:$0x7F9]  }
0xd5: {  	[sflag:s14] =	ssyncset.done $0x0  }
0xd6: {  	[sflag:s14] =	ssyncadd.s32 $0xFFFFE800  }
0xd7: {  	[spmem:s17] =	stream.linear.scatter [tilespmem:s2], [sflag:$0xD], $0x1800, $0x38;
	v63 =	vld [tilespmem:$0x0]  }
0xd8: {  	_ =	swait.ge [sflag:s14], $0x1800  }
0xd9: {  	s21 =	sld [smem:$0x7FA]  }
0xda: {  	[sflag:s14] =	ssyncset.done $0x0  }
0xdb: {  	[sflag:s14] =	ssyncadd.s32 $0xFFFFE800  }
0xdc: {  	[spmem:s21] =	stream.linear.scatter [tilespmem:s2], [sflag:$0xD], $0x1800, $0x38;
	v63 =	vld [tilespmem:$0x0]  }
0xdd: {  	_ =	swait.ge [sflag:s14], $0x1800  }
0xde: {  	s22 =	sld [smem:$0x7FB]  }
0xdf: {  	[sflag:s14] =	ssyncset.done $0x0  }
0xe0: {  	[sflag:s14] =	ssyncadd.s32 $0xFFFFE800  }
0xe1: {  	[spmem:s22] =	stream.linear.scatter [tilespmem:s2], [sflag:$0xD], $0x1800, $0x38;
	v63 =	vld [tilespmem:$0x0]  }
0xe2: {  	_ =	swait.ge [sflag:s14], $0x1800  }
0xe3: {  	[sflag:s14] =	ssyncset.done $0x0  }
0xe4: {  	s26 =	simm.s32 $0xAA80;
	s24 =	rddreg [dreg:$0xf];
	[sflag:s14] =	ssyncadd.s32 $0xFFFFE800  }
0xe5: {  	[spmem:s24] =	stream.linear.scatter [tilespmem:s26], [sflag:$0xD], $0x270, $0x38;
	v63 =	vld [tilespmem:$0x0]  }
0xe6: {  	_ =	swait.ge [sflag:s14], $0x270  }
0xe7: {  	[sflag:s14] =	ssyncset.done $0x0  }
0xe8: {  	s1 =	simm.s32 @!p0 $0xAD00;
	[sflag:s14] =	ssyncadd.s32 $0xFFFFFD90  }
0xe9: {  	[spmem:s19] =	stream.linear.scatter @!p0 [tilespmem:s1], [sflag:$0xD], $0x800, $0x38;
	v63 =	vld [tilespmem:$0x0]  }
0xea: {  	s1 =	simm.s32 @!p0 $0xD  }
0xeb: {  	_ =	swait.ge @!p0 [sflag:s1], $0x800  }
0xec: {  	[sflag:s1] =	ssyncset.done @!p0 $0x0  }
0xed: {  	s6 =	simm.s32 @!p0 $0xAA80;
	[sflag:s1] =	ssyncadd.s32 @!p0 $0xFFFFF800  }
0xee: {  	[spmem:s23] =	stream.linear.scatter @!p0 [tilespmem:s6], [sflag:$0xD], $0x10, $0x38;
	v63 =	vld [tilespmem:$0x0]  }
0xef: {  	_ =	swait.ge @!p0 [sflag:s1], $0x10  }
0xf0: {  	[sflag:s1] =	ssyncset.done @!p0 $0x0  }
0xf1: {  	[sflag:s1] =	ssyncadd.s32 @!p0 $0xFFFFFFF0  }
0xf2: {  	[tilespmem:$0xAA00] =	vst v1  }
0xf3: {  	[tilespmem:$0xAA10] =	vst v1  }
0xf4: {  	[tilespmem:$0xAA20] =	vst v1  }
0xf5: {  	[tilespmem:$0xAA30] =	vst v1  }
0xf6: {  	[bflag:$0x0] =	sbarrier.arrive $0xFFFF  }
0xf7: {  	s28 =	rddreg [dreg:$0x18]  }
0xf8: {  	s12 =	rddreg [dreg:$0x17]  }
0xf9: {  	s30 =	simm.s32 $0x2900;
	s1 =	rddreg [dreg:$0x16]  }
0xfa: {  	s13 =	simm.s32 $0x0;
	s2 =	simm.s32 $0x8A00;
	s6 =	rddreg [dreg:$0x15]  }
.LBB2_4:
0xfb: {  	_ =	swait.ge [sflag:s29], $0x2000  }
0xfc: {  	[sflag:s29] =	ssyncset.done $0x0  }
0xfd: {  	s17 =	simm.s32 $0x5;
	[sflag:s29] =	ssyncadd.s32 $0xFFFFE000  }
0xfe: {  	_ =	swait.ge [sflag:s17], $0x40  }
0xff: {  	[sflag:s17] =	ssyncset.done $0x0  }
0x100: {  	s19 =	simm.s32 $0x2780;
	[sflag:s17] =	ssyncadd.s32 $0xFFFFFFC0  }
0x101: {  	[spmem:s4] =	stream.indirect.scatter.add.f32 [tilespmem:s31], [sflag:$0x9], $0x1, s19, s18, $0xb8;
	v63 =	vld [tilespmem:$0x0]  }
0x102: {  	_ = 	snop  }
0x103: {  	[spmem:s3] =	stream.indirect.scatter.add.f32 [tilespmem:s20], [sflag:$0xD], $0x80, s19, s18, $0xb8;
	v63 =	vld [tilespmem:$0x0]  }
0x104: {  	_ =	swait.ge [sflag:s14], $0x2000  }
0x105: {  	[sflag:s14] =	ssyncset.done $0x0  }
0x106: {  	s20 =	simm.s32 $0x9;
	[sflag:s14] =	ssyncadd.s32 $0xFFFFE000  }
0x107: {  	_ =	swait.ge [sflag:s20], $0x40  }
0x108: {  	[sflag:s20] =	ssyncset.done $0x0  }
0x109: {  	p1 =	seq.s32 s13, $0x9800;
	[sflag:s20] =	ssyncadd.s32 $0xFFFFFFC0  }
0x10a: {  	s21 =	sshrl.u32 @!p1 s6, $0x3;
	s17 =	rddreg [dreg:$0x1]  }
0x10b: {  	s23 =	simm.s32 @!p1 $0x0;
	s19 =	simm.s32 @!p1 $0x2780;
	s21 =	sadd.s32 @!p1 s17, s21  }
0x10c: {  	[tilespmem:s19], [sflag:$0x5] =	stream.linear.gather @!p1 [hbm4b:s21+s23], $0x40, $0x38;
	v63 =	vld [tilespmem:$0x0]  }
0x10d: {  	s19 =	sshra.s32 @!p1 s13, $0x2  }
0x10e: {  	s20 =	simm.s32 @!p1 $0x2A00;
	s17 =	simm.s32 @!p1 $0x40;
	s21 =	sadd.s32 @!p1 $0x100, s19  }
0x10f: {  	[tilespmem:s20], [sflag:$0x1] =	stream.indirect.gather @!p1 [hbm4b:s0+s17], $0x80, s21, s17, $0xb8;
	v63 =	vld [tilespmem:$0x0]  }
0x110: {  	_ =	swait.ge [sflag:s5], $0x2000  }
0x111: {  	[sflag:s5] =	ssyncset.done $0x0  }
0x112: {  	[sflag:s5] =	ssyncadd.s32 $0xFFFFE000  }
0x113: {  	_ =	swait.ge [sflag:s8], $0x40  }
0x114: {  	[sflag:s8] =	ssyncset.done $0x0  }
0x115: {  	s21 =	simm.s32 $0x2800;
	[sflag:s8] =	ssyncadd.s32 $0xFFFFFFC0  }
0x116: {  	[spmem:s4] =	stream.indirect.scatter.add.f32 [tilespmem:s31], [sflag:$0xA], $0x1, s21, s18, $0xb8;
	v63 =	vld [tilespmem:$0x0]  }
0x117: {  	s24 =	simm.s32 $0x4A00  }
0x118: {  	[spmem:s3] =	stream.indirect.scatter.add.f32 [tilespmem:s24], [sflag:$0xD], $0x80, s21, s18, $0xb8;
	v63 =	vld [tilespmem:$0x0]  }
0x119: {  	_ =	swait.ge [sflag:s14], $0x2000  }
0x11a: {  	[sflag:s14] =	ssyncset.done $0x0  }
0x11b: {  	[sflag:s14] =	ssyncadd.s32 $0xFFFFE000  }
0x11c: {  	_ =	swait.ge [sflag:s9], $0x40  }
0x11d: {  	[sflag:s9] =	ssyncset.done $0x0  }
0x11e: {  	s20 =	simm.s32 @!p1 $0x2800;
	[sflag:s9] =	ssyncadd.s32 $0xFFFFFFC0  }
0x11f: {  	[tilespmem:s20], [sflag:$0x6] =	stream.linear.gather @!p1 [hbm4b:s1+s23], $0x40, $0x38;
	v63 =	vld [tilespmem:$0x0]  }
0x120: {  	s21 =	simm.s32 @!p1 $0x4A00;
	s20 =	sadd.s32 @!p1 $0x140, s19  }
0x121: {  	[tilespmem:s21], [sflag:$0x2] =	stream.indirect.gather @!p1 [hbm4b:s0+s17], $0x80, s20, s17, $0xb8;
	v63 =	vld [tilespmem:$0x0]  }
0x122: {  	_ =	swait.ge [sflag:s10], $0x2000  }
0x123: {  	[sflag:s10] =	ssyncset.done $0x0  }
0x124: {  	[sflag:s10] =	ssyncadd.s32 $0xFFFFE000  }
0x125: {  	_ =	swait.ge [sflag:s7], $0x40  }
0x126: {  	[sflag:s7] =	ssyncset.done $0x0  }
0x127: {  	s20 =	simm.s32 $0x2880;
	[sflag:s7] =	ssyncadd.s32 $0xFFFFFFC0  }
0x128: {  	[spmem:s4] =	stream.indirect.scatter.add.f32 [tilespmem:s31], [sflag:$0xB], $0x1, s20, s18, $0xb8;
	v63 =	vld [tilespmem:$0x0]  }
0x129: {  	s24 =	simm.s32 $0x6A00  }
0x12a: {  	[spmem:s3] =	stream.indirect.scatter.add.f32 [tilespmem:s24], [sflag:$0xD], $0x80, s20, s18, $0xb8;
	v63 =	vld [tilespmem:$0x0]  }
0x12b: {  	_ =	swait.ge [sflag:s14], $0x2000  }
0x12c: {  	[sflag:s14] =	ssyncset.done $0x0  }
0x12d: {  	[sflag:s14] =	ssyncadd.s32 $0xFFFFE000  }
0x12e: {  	_ =	swait.ge [sflag:s15], $0x40  }
0x12f: {  	[sflag:s15] =	ssyncset.done $0x0  }
0x130: {  	s20 =	simm.s32 @!p1 $0x2880;
	[sflag:s15] =	ssyncadd.s32 $0xFFFFFFC0  }
0x131: {  	[tilespmem:s20], [sflag:$0x7] =	stream.linear.gather @!p1 [hbm4b:s12+s23], $0x40, $0x38;
	v63 =	vld [tilespmem:$0x0]  }
0x132: {  	s19 =	sadd.s32 @!p1 $0x180, s19;
	s20 =	simm.s32 @!p1 $0x6A00  }
0x133: {  	[tilespmem:s20], [sflag:$0x3] =	stream.indirect.gather @!p1 [hbm4b:s0+s17], $0x80, s19, s17, $0xb8;
	v63 =	vld [tilespmem:$0x0]  }
0x134: {  	_ =	swait.ge [sflag:s25], $0x2000  }
0x135: {  	[sflag:s25] =	ssyncset.done $0x0  }
0x136: {  	[sflag:s25] =	ssyncadd.s32 $0xFFFFE000  }
0x137: {  	_ =	swait.ge [sflag:s16], $0x40  }
0x138: {  	[sflag:s16] =	ssyncset.done $0x0  }
0x139: {  	[sflag:s16] =	ssyncadd.s32 $0xFFFFFFC0  }
0x13a: {  	[spmem:s4] =	stream.indirect.scatter.add.f32 [tilespmem:s31], [sflag:$0xC], $0x1, s30, s18, $0xb8;
	v63 =	vld [tilespmem:$0x0]  }
0x13b: {  	_ = 	snop  }
0x13c: {  	[spmem:s3] =	stream.indirect.scatter.add.f32 [tilespmem:s2], [sflag:$0xD], $0x80, s30, s18, $0xb8;
	v63 =	vld [tilespmem:$0x0]  }
0x13d: {  	_ =	swait.ge [sflag:s14], $0x2000  }
.Ltmp3:
0x13e: {  	[sflag:s14] =	ssyncset.done $0x0;
	(pc) =	sbr.rel @p1 .LBB2_6-.Ltmp3, $4  }
0x13f: {  	[sflag:s14] =	ssyncadd.s32 $0xFFFFE000  }
0x140: {  	s26 =	simm.s32 $0x2780;
	_ =	swait.ge [sflag:s11], $0x40  }
0x141: {  	s22 =	simm.s32 $0x2800;
	s21 =	simm.s32 $0x2880;
	[sflag:s11] =	ssyncset.done $0x0  }
0x142: {  	s24 =	simm.s32 $0x2900;
	s30 =	simm.s32 $0x8A00;
	[sflag:s11] =	ssyncadd.s32 $0xFFFFFFC0  }
0x143: {  	s17 =	simm.s32 $0x0;
	s26 =	sshra.s32 s13, $0x2;
	s13 =	sadd.s32 $0x400, s13  }
.Ltmp4:
0x144: {  	s6 =	sadd.s32 $0x100, s6;
	s1 =	sadd.s32 $0x20, s1;
	(pc) =	sbr.rel .LBB2_4-.Ltmp4, $4  }
0x145: {  	[tilespmem:s24], [sflag:$0x8] =	stream.linear.gather [hbm4b:s28+s17], $0x40, $0x38;
	v63 =	vld [tilespmem:$0x0]  }
0x146: {  	s12 =	sadd.s32 $0x20, s12;
	s20 =	simm.s32 $0x2A00;
	s17 =	sadd.s32 $0x1C0, s26  }
0x147: {  	[tilespmem:s30], [sflag:$0x4] =	stream.indirect.gather [hbm4b:s0+s18], $0x80, s17, s18, $0xb8;
	v63 =	vld [tilespmem:$0x0]  }
0x148: {  	s2 =	simm.s32 $0x8A00;
	s28 =	sadd.s32 $0x20, s28;
	s30 =	simm.s32 $0x2900  }
.LBB2_7:
0x149: {  	_ =	sfence.sel $0x180000  }
0x14a: {  	[bflag:$0x0] =	sbarrier.arrive $0xFFFF  }
0x14b: {  	_ =	strace $0x90000047  }
0x14c: {  	[bflag:$0x2] =	sbarrier.arrive $0xFFFF  }
0x14d: {  	s0 =	rddreg [dreg:$0x5]  }
0x14e: {  	s0 =	sadd.s32 @!p0 $0x100000, s0  }
0x14f: {  	[sflag:s0] =	ssyncadd.tile.s32 @!p0 $0x1;
	_ =	shalt  }
.Lfunc_end2:
_tile_overlayer_lowered:
.L_overlay_start_2:
0x150: {  	(tag) =	ssettag $0x2  }
0x151: {  	s0 =	rddreg [dreg:$0x0];
	s2 =	stileid.u32  }
0x152: {  	s1 =	rddreg [dreg:$0x1];
	p0 =	sne.s32 s2, $0x0  }
0x153: {  	s3 =	rddreg [dreg:$0x2];
	[bflag:$0x3] =	sbarrier.arrive $0xFFFF;
	s2 =	simm.s32 @!p0 $0x1C0D  }
0x154: {  	[timem:s3], [sflag:s2] =	dma.local @!p0 [hbm:s0], s1  }
0x155: {  	s0 =	simm.s32 @!p0 $0xD  }
0x156: {  	_ =	swait.ge @!p0 [sflag:s0], s1  }
0x157: {  	s1 =	ssub.s32 @!p0 $0x0, s1;
	[sflag:s0] =	ssyncset.done @!p0 $0x0  }
0x158: {  	[sflag:s0] =	ssyncadd.s32 @!p0 s1  }
0x159: {  	[bflag:$0x3] =	sbarrier.arrive $0xFFFF  }
0x15a: {  	_ =	shalt  }

</sc_bundles>
